<compile_context>
chip_gen: v7x
topology: tpu7x:2x2x1
jax: 0.10.2.dev20260603
libtpu: 0.0.44.dev20260713+nightly
codegen_flags: <defaults>
</compile_context>

<pallas_src>
import functools

import jax
import jax.numpy as jnp
from jax import lax
from jax.experimental import pallas as pl
from jax.experimental.pallas import tpu as pltpu
from jax.experimental.pallas import tpu_sc as plsc

VOCAB = 100000
HIDDEN = 768
MAX_POS = 2048
BATCH = 4
SEQ = 2048
EPS = 1e-12

NC = 2
NS = 16
NW = NC * NS
TOKENS = BATCH * SEQ

PS = ((0, 1024), (1024, 1024))
PIECES = len(PS)
LNB = 1024
NCHUNK = 2


def _sc_gather_body(start, size, idx_hbm, word_hbm, out_hbm,
                    idx_v, buf0, buf1, sem0, sem1):
    tpw = size // 8
    cw = tpw // NCHUNK
    wid = lax.axis_index("s") * NC + lax.axis_index("c")
    base = (wid // 8) * SEQ + start + tpw * (wid % 8)
    pltpu.sync_copy(idx_hbm.at[pl.ds(base, tpw)], idx_v)
    bufs = (buf0, buf1)
    sems = (sem0, sem1)
    cps = [None] * NCHUNK
    cps[0] = pltpu.async_copy(
        word_hbm.at[idx_v.at[pl.ds(0, cw)]], bufs[0], sems[0])
    for c in range(NCHUNK):
        if c + 1 < NCHUNK:
            cps[c + 1] = pltpu.async_copy(
                word_hbm.at[idx_v.at[pl.ds((c + 1) * cw, cw)]],
                bufs[(c + 1) % 2], sems[(c + 1) % 2])
        cps[c].wait()
        pltpu.sync_copy(bufs[c % 2],
                        out_hbm.at[pl.ds(wid * tpw + c * cw, cw)])


def _ln_first_body(g_ref, pos_ref, tt_ref, gam_ref, bet_ref, o_ref):
    x = g_ref[...] + pos_ref[...] + tt_ref[...]
    mean = jnp.mean(x, axis=1, keepdims=True)
    xc = x - mean
    var = jnp.mean(xc * xc, axis=1, keepdims=True)
    o_ref[...] = xc * lax.rsqrt(var + EPS) * gam_ref[...] + bet_ref[...]


def _ln_chain_body(g_ref, pos_ref, tt_ref, gam_ref, bet_ref, prev_ref,
                   o_ref):
    del prev_ref
    _ln_first_body(g_ref, pos_ref, tt_ref, gam_ref, bet_ref, o_ref)


def _make_ln_call(p):
    start, size = PS[p]
    nblk = size // LNB
    s0 = start // LNB
    specs = [
        pl.BlockSpec((LNB, HIDDEN), lambda i, b: (b * nblk + i, 0)),
        pl.BlockSpec((LNB, HIDDEN), lambda i, b: (s0 + i, 0)),
        pl.BlockSpec((1, HIDDEN), lambda i, b: (0, 0)),
        pl.BlockSpec((1, HIDDEN), lambda i, b: (0, 0)),
        pl.BlockSpec((1, HIDDEN), lambda i, b: (0, 0)),
    ]
    out_spec = pl.BlockSpec(
        (LNB, HIDDEN), lambda i, b: (b * (SEQ // LNB) + s0 + i, 0))
    out_shape = jax.ShapeDtypeStruct((TOKENS, HIDDEN), jnp.float32)
    if p == 0:
        return pl.pallas_call(
            _ln_first_body, grid=(nblk, BATCH), in_specs=specs,
            out_specs=out_spec, out_shape=out_shape)
    return pl.pallas_call(
        _ln_chain_body, grid=(nblk, BATCH),
        in_specs=specs + [pl.BlockSpec(memory_space=pltpu.MemorySpace.HBM)],
        out_specs=out_spec, out_shape=out_shape,
        input_output_aliases={5: 0})


@jax.jit
def _bert_embed(input_ids, word_embeddings, position_embeddings,
                token_type_embeddings, ln_gamma, ln_beta):
    idx_flat = input_ids.astype(jnp.int32).reshape(TOKENS)
    tt_row = token_type_embeddings[0].reshape(1, HIDDEN)
    gam2 = ln_gamma.reshape(1, HIDDEN)
    bet2 = ln_beta.reshape(1, HIDDEN)
    gs = []
    for start, size in PS:
        tpw = size // 8
        cw = tpw // NCHUNK
        sc_gather = pl.kernel(
            functools.partial(_sc_gather_body, start, size),
            out_type=jax.ShapeDtypeStruct((BATCH * size, HIDDEN),
                                          jnp.float32),
            mesh=plsc.VectorSubcoreMesh(
                core_axis_name="c", subcore_axis_name="s"),
            scratch_types=[
                pltpu.VMEM((tpw,), jnp.int32),
                pltpu.VMEM((cw, HIDDEN), jnp.float32),
                pltpu.VMEM((cw, HIDDEN), jnp.float32),
                pltpu.SemaphoreType.DMA,
                pltpu.SemaphoreType.DMA,
            ],
        )
        gs.append(sc_gather(idx_flat, word_embeddings))
    out = _make_ln_call(0)(gs[0], position_embeddings, tt_row, gam2, bet2)
    for p in range(1, PIECES):
        out = _make_ln_call(p)(
            gs[p], position_embeddings, tt_row, gam2, bet2, out)
    return out.reshape(BATCH, SEQ, HIDDEN)


def kernel(input_ids, word_embeddings, position_embeddings,
           token_type_embeddings, ln_gamma, ln_beta):
    return _bert_embed(input_ids, word_embeddings, position_embeddings,
                       token_type_embeddings, ln_gamma, ln_beta)

# --- scband reference (transcript-rebuilt; emitter-appended) ---
"""Pipeline reference for scband-bert-embeddings-wrapper-19894288515707 (READ-ONLY COPY).

The authoritative reference and input builder live on the scoring server;
editing this copy changes nothing except your own understanding.
"""

import jax, jax.numpy as jnp
import numpy as np

VOCAB = 100000
HIDDEN = 768
MAX_POS = 2048
TYPE_VOCAB = 2
BATCH = 4
SEQ = 2048
EPS = 1e-12


def setup_inputs(seed: int = 0) -> dict:
    key = jax.random.key(seed)
    k0, k1, k2, k3 = jax.random.split(key, 4)
    input_ids = jax.random.randint(k0, (BATCH, SEQ), 0, VOCAB, dtype=jnp.int64 if jax.config.jax_enable_x64 else jnp.int32)
    word_embeddings = jax.random.normal(k1, (VOCAB, HIDDEN), dtype=jnp.float32) * 0.02
    position_embeddings = jax.random.normal(k2, (MAX_POS, HIDDEN), dtype=jnp.float32) * 0.02
    token_type_embeddings = jax.random.normal(k3, (TYPE_VOCAB, HIDDEN), dtype=jnp.float32) * 0.02
    ln_gamma = jnp.ones((HIDDEN,), dtype=jnp.float32)
    ln_beta = jnp.zeros((HIDDEN,), dtype=jnp.float32)
    return {
        "input_ids": input_ids,
        "word_embeddings": word_embeddings,
        "position_embeddings": position_embeddings,
        "token_type_embeddings": token_type_embeddings,
        "ln_gamma": ln_gamma,
        "ln_beta": ln_beta,
    }


def reference(input_ids, word_embeddings, position_embeddings, token_type_embeddings, ln_gamma, ln_beta):
    # BertEmbeddings forward with input_ids only: token_type_ids default to zeros,
    # position_ids = arange(seq_len). Dropout omitted (eval mode).
    seq_len = input_ids.shape[1]
    inputs_embeds = jnp.take(word_embeddings, input_ids, axis=0)            # [B, S, H] gather
    pos_ids = jnp.arange(seq_len)
    pos_embeds = jnp.take(position_embeddings, pos_ids, axis=0)[None, :, :]  # [1, S, H]
    type_embeds = token_type_embeddings[0][None, None, :]                    # zeros token_type_ids -> row 0
    x = inputs_embeds + pos_embeds + type_embeds
    mean = jnp.mean(x, axis=-1, keepdims=True)
    var = jnp.mean(jnp.square(x - mean), axis=-1, keepdims=True)
    y = (x - mean) / jnp.sqrt(var + EPS) * ln_gamma + ln_beta
    return y

if __name__ == "__main__":
    import jax
    _d = setup_inputs()
    print(jax.jit(kernel)(*tuple(_d.values())))

</pallas_src>

<mosaic_0001>
#map = affine_map<(d0, d1) -> (0)>
#map1 = affine_map<(d0, d1) -> (0, 0)>
module attributes {stable_mosaic.version = 14 : i64} {
  func.func @_sc_gather_body(%arg0: i32, %arg1: i32, %arg2: memref<8192xi32, #tpu.memory_space<hbm>>, %arg3: memref<100000x768xf32, #tpu.memory_space<hbm>>, %arg4: memref<4096x768xf32, #tpu.memory_space<hbm>>, %arg5: memref<128xi32, #tpu.memory_space<vmem>>, %arg6: memref<64x768xf32, #tpu.memory_space<vmem>>, %arg7: memref<64x768xf32, #tpu.memory_space<vmem>>, %arg8: memref<!tpu.dma_semaphore, #tpu.memory_space<semaphore_mem>>, %arg9: memref<!tpu.dma_semaphore, #tpu.memory_space<semaphore_mem>>) attributes {dimension_semantics = [#tpu.dimension_semantics<core_parallel>, #tpu.dimension_semantics<subcore_parallel>], iteration_bounds = array<i64: 2, 16>, scalar_prefetch = 0 : i64, scratch_operands = 5 : i64, tpu.core_type = #tpu.core_type<sc_vector_subcore>, window_params = [{transform_indices = #map}, {transform_indices = #map1}, {transform_indices = #map1}]} {
    %mul3A = arith.constant 2 : i32
    %mul3A_0 = arith.muli %arg1, %mul3A : i32
    %add3A = arith.addi %mul3A_0, %arg0 : i32
    %jit3A = arith.constant 8 : i32
    %div3A = arith.divsi %add3A, %jit3A : i32
    %sign3A = arith.constant 0 : i32
    %sign3A_1 = arith.cmpi sgt, %add3A, %sign3A : i32
    %sign3A_2 = arith.extui %sign3A_1 : i1 to i32
    %sign3A_3 = arith.constant 0 : i32
    %sign3A_4 = arith.cmpi slt, %add3A, %sign3A_3 : i32
    %sign3A_5 = arith.extui %sign3A_4 : i1 to i32
    %sign3A_6 = arith.subi %sign3A_2, %sign3A_5 : i32
    %sign3A_7 = arith.constant 0 : i32
    %sign3A_8 = arith.cmpi sgt, %jit3A, %sign3A_7 : i32
    %sign3A_9 = arith.extui %sign3A_8 : i1 to i32
    %sign3A_10 = arith.constant 0 : i32
    %sign3A_11 = arith.cmpi slt, %jit3A, %sign3A_10 : i32
    %sign3A_12 = arith.extui %sign3A_11 : i1 to i32
    %sign3A_13 = arith.subi %sign3A_9, %sign3A_12 : i32
    %ne3A = arith.cmpi ne, %sign3A_6, %sign3A_13 : i32
    %rem3A = arith.remsi %add3A, %jit3A : i32
    %ne3A_14 = arith.constant 0 : i32
    %ne3A_15 = arith.cmpi ne, %rem3A, %ne3A_14 : i32
    %and3A = arith.andi %ne3A, %ne3A_15 : i1
    %sub3A = arith.constant 1 : i32
    %sub3A_16 = arith.subi %div3A, %sub3A : i32
    %select_n3A = arith.select %and3A, %sub3A_16, %div3A : i32
    %mul3A_17 = arith.constant 2048 : i32
    %mul3A_18 = arith.muli %select_n3A, %mul3A_17 : i32
    %add3A_19 = arith.constant 0 : i32
    %add3A_20 = arith.addi %mul3A_18, %add3A_19 : i32
    %jit3A_21 = arith.constant 8 : i32
    %eq3A = arith.constant 0 : i32
    %eq3A_22 = arith.cmpi eq, %jit3A_21, %eq3A : i32
    %jit3A_23 = arith.constant 1 : i32
    %select_n3A_24 = arith.select %eq3A_22, %jit3A_23, %jit3A_21 : i32
    %rem3A_25 = arith.remsi %add3A, %select_n3A_24 : i32
    %ne3A_26 = arith.constant 0 : i32
    %ne3A_27 = arith.cmpi ne, %rem3A_25, %ne3A_26 : i32
    %lt3A = arith.constant 0 : i32
    %lt3A_28 = arith.cmpi slt, %rem3A_25, %lt3A : i32
    %lt3A_29 = arith.constant 0 : i32
    %lt3A_30 = arith.cmpi slt, %select_n3A_24, %lt3A_29 : i32
    %ne3A_31 = arith.xori %lt3A_28, %lt3A_30 : i1
    %and3A_32 = arith.andi %ne3A_31, %ne3A_27 : i1
    %add3A_33 = arith.addi %rem3A_25, %select_n3A_24 : i32
    %select_n3A_34 = arith.select %and3A_32, %add3A_33, %rem3A_25 : i32
    %mul3A_35 = arith.constant 128 : i32
    %mul3A_36 = arith.muli %mul3A_35, %select_n3A_34 : i32
    %add3A_37 = arith.addi %add3A_20, %mul3A_36 : i32
    "tpu.region"() ({
      %run_scoped3A = tpu.sem_alloc : memref<!tpu.dma_semaphore, #tpu.memory_space<semaphore_mem>>
      %dma_start3A_64 = tpu.memref_slice %arg2[%add3A_37] : memref<8192xi32, #tpu.memory_space<hbm>> -> memref<128xi32, #tpu.memory_space<hbm>>
      %dma_start3A_65 = tpu.memref_slice %arg2[%add3A_37] : memref<8192xi32, #tpu.memory_space<hbm>> -> memref<128xi32, #tpu.memory_space<hbm>>
      tpu.enqueue_dma source(%dma_start3A_65 : memref<128xi32, #tpu.memory_space<hbm>>) target(%arg5 : memref<128xi32, #tpu.memory_space<vmem>>) target_semaphore(%run_scoped3A : memref<!tpu.dma_semaphore, #tpu.memory_space<semaphore_mem>>)
      %dma_wait3A_66 = tpu.memref_slice %arg2[%add3A_37] : memref<8192xi32, #tpu.memory_space<hbm>> -> memref<128xi32, #tpu.memory_space<hbm>>
      %dma_wait3A_67 = tpu.memref_slice %arg2[%add3A_37] : memref<8192xi32, #tpu.memory_space<hbm>> -> memref<128xi32, #tpu.memory_space<hbm>>
      tpu.wait_dma2 semaphore(%run_scoped3A : memref<!tpu.dma_semaphore, #tpu.memory_space<semaphore_mem>>) src(%dma_wait3A_67 : memref<128xi32, #tpu.memory_space<hbm>>) dst(%arg5 : memref<128xi32, #tpu.memory_space<vmem>>)
      tpu.yield
    }) : () -> ()
    %dma_start3A = arith.constant 0 : i32
    %dma_start3A_38 = tpu.memref_slice %arg5[%dma_start3A] : memref<128xi32, #tpu.memory_space<vmem>> -> memref<64xi32, #tpu.memory_space<vmem>>
    %dma_start3A_39 = arith.constant 0 : i32
    %dma_start3A_40 = arith.constant 0 : i32
    %dma_start3A_41 = tpu.memref_slice %arg3[%dma_start3A_39, %dma_start3A_40] : memref<100000x768xf32, #tpu.memory_space<hbm>> -> memref<100000x768xf32, #tpu.memory_space<hbm>>
    tpu.enqueue_indirect_dma source(%dma_start3A_41 : memref<100000x768xf32, #tpu.memory_space<hbm>>) target(%arg6 : memref<64x768xf32, #tpu.memory_space<vmem>>) offsets(%dma_start3A_38 : memref<64xi32, #tpu.memory_space<vmem>>) semaphore(%arg8 : memref<!tpu.dma_semaphore, #tpu.memory_space<semaphore_mem>>)
    %dma_start3A_42 = arith.constant 64 : i32
    %dma_start3A_43 = tpu.memref_slice %arg5[%dma_start3A_42] : memref<128xi32, #tpu.memory_space<vmem>> -> memref<64xi32, #tpu.memory_space<vmem>>
    %dma_start3A_44 = arith.constant 0 : i32
    %dma_start3A_45 = arith.constant 0 : i32
    %dma_start3A_46 = tpu.memref_slice %arg3[%dma_start3A_44, %dma_start3A_45] : memref<100000x768xf32, #tpu.memory_space<hbm>> -> memref<100000x768xf32, #tpu.memory_space<hbm>>
    tpu.enqueue_indirect_dma source(%dma_start3A_46 : memref<100000x768xf32, #tpu.memory_space<hbm>>) target(%arg7 : memref<64x768xf32, #tpu.memory_space<vmem>>) offsets(%dma_start3A_43 : memref<64xi32, #tpu.memory_space<vmem>>) semaphore(%arg9 : memref<!tpu.dma_semaphore, #tpu.memory_space<semaphore_mem>>)
    %dma_wait3A = arith.constant 0 : i32
    %dma_wait3A_47 = tpu.memref_slice %arg5[%dma_wait3A] : memref<128xi32, #tpu.memory_space<vmem>> -> memref<64xi32, #tpu.memory_space<vmem>>
    %dma_wait3A_48 = arith.constant 0 : i32
    %dma_wait3A_49 = arith.constant 0 : i32
    %dma_wait3A_50 = tpu.memref_slice %arg3[%dma_wait3A_48, %dma_wait3A_49] : memref<100000x768xf32, #tpu.memory_space<hbm>> -> memref<100000x768xf32, #tpu.memory_space<hbm>>
    tpu.wait_indirect_dma semaphore(%arg8 : memref<!tpu.dma_semaphore, #tpu.memory_space<semaphore_mem>>) src(%dma_wait3A_50 : memref<100000x768xf32, #tpu.memory_space<hbm>>) dst(%arg6 : memref<64x768xf32, #tpu.memory_space<vmem>>)
    %mul3A_51 = arith.constant 128 : i32
    %mul3A_52 = arith.muli %add3A, %mul3A_51 : i32
    %add3A_53 = arith.constant 0 : i32
    %add3A_54 = arith.addi %mul3A_52, %add3A_53 : i32
    "tpu.region"() ({
      %run_scoped3A = tpu.sem_alloc : memref<!tpu.dma_semaphore, #tpu.memory_space<semaphore_mem>>
      %dma_start3A_64 = arith.constant 0 : i32
      %dma_start3A_65 = tpu.memref_slice %arg4[%add3A_54, %dma_start3A_64] : memref<4096x768xf32, #tpu.memory_space<hbm>> -> memref<64x768xf32, #tpu.memory_space<hbm>>
      %dma_start3A_66 = arith.constant 0 : i32
      %dma_start3A_67 = tpu.memref_slice %arg4[%add3A_54, %dma_start3A_66] : memref<4096x768xf32, #tpu.memory_space<hbm>> -> memref<64x768xf32, #tpu.memory_space<hbm>>
      tpu.enqueue_dma source(%arg6 : memref<64x768xf32, #tpu.memory_space<vmem>>) target(%dma_start3A_67 : memref<64x768xf32, #tpu.memory_space<hbm>>) target_semaphore(%run_scoped3A : memref<!tpu.dma_semaphore, #tpu.memory_space<semaphore_mem>>)
      %dma_wait3A_68 = arith.constant 0 : i32
      %dma_wait3A_69 = tpu.memref_slice %arg4[%add3A_54, %dma_wait3A_68] : memref<4096x768xf32, #tpu.memory_space<hbm>> -> memref<64x768xf32, #tpu.memory_space<hbm>>
      %dma_wait3A_70 = arith.constant 0 : i32
      %dma_wait3A_71 = tpu.memref_slice %arg4[%add3A_54, %dma_wait3A_70] : memref<4096x768xf32, #tpu.memory_space<hbm>> -> memref<64x768xf32, #tpu.memory_space<hbm>>
      tpu.wait_dma2 semaphore(%run_scoped3A : memref<!tpu.dma_semaphore, #tpu.memory_space<semaphore_mem>>) src(%arg6 : memref<64x768xf32, #tpu.memory_space<vmem>>) dst(%dma_wait3A_71 : memref<64x768xf32, #tpu.memory_space<hbm>>)
      tpu.yield
    }) : () -> ()
    %dma_wait3A_55 = arith.constant 64 : i32
    %dma_wait3A_56 = tpu.memref_slice %arg5[%dma_wait3A_55] : memref<128xi32, #tpu.memory_space<vmem>> -> memref<64xi32, #tpu.memory_space<vmem>>
    %dma_wait3A_57 = arith.constant 0 : i32
    %dma_wait3A_58 = arith.constant 0 : i32
    %dma_wait3A_59 = tpu.memref_slice %arg3[%dma_wait3A_57, %dma_wait3A_58] : memref<100000x768xf32, #tpu.memory_space<hbm>> -> memref<100000x768xf32, #tpu.memory_space<hbm>>
    tpu.wait_indirect_dma semaphore(%arg9 : memref<!tpu.dma_semaphore, #tpu.memory_space<semaphore_mem>>) src(%dma_wait3A_59 : memref<100000x768xf32, #tpu.memory_space<hbm>>) dst(%arg7 : memref<64x768xf32, #tpu.memory_space<vmem>>)
    %mul3A_60 = arith.constant 128 : i32
    %mul3A_61 = arith.muli %add3A, %mul3A_60 : i32
    %add3A_62 = arith.constant 64 : i32
    %add3A_63 = arith.addi %mul3A_61, %add3A_62 : i32
    "tpu.region"() ({
      %run_scoped3A = tpu.sem_alloc : memref<!tpu.dma_semaphore, #tpu.memory_space<semaphore_mem>>
      %dma_start3A_64 = arith.constant 0 : i32
      %dma_start3A_65 = tpu.memref_slice %arg4[%add3A_63, %dma_start3A_64] : memref<4096x768xf32, #tpu.memory_space<hbm>> -> memref<64x768xf32, #tpu.memory_space<hbm>>
      %dma_start3A_66 = arith.constant 0 : i32
      %dma_start3A_67 = tpu.memref_slice %arg4[%add3A_63, %dma_start3A_66] : memref<4096x768xf32, #tpu.memory_space<hbm>> -> memref<64x768xf32, #tpu.memory_space<hbm>>
      tpu.enqueue_dma source(%arg7 : memref<64x768xf32, #tpu.memory_space<vmem>>) target(%dma_start3A_67 : memref<64x768xf32, #tpu.memory_space<hbm>>) target_semaphore(%run_scoped3A : memref<!tpu.dma_semaphore, #tpu.memory_space<semaphore_mem>>)
      %dma_wait3A_68 = arith.constant 0 : i32
      %dma_wait3A_69 = tpu.memref_slice %arg4[%add3A_63, %dma_wait3A_68] : memref<4096x768xf32, #tpu.memory_space<hbm>> -> memref<64x768xf32, #tpu.memory_space<hbm>>
      %dma_wait3A_70 = arith.constant 0 : i32
      %dma_wait3A_71 = tpu.memref_slice %arg4[%add3A_63, %dma_wait3A_70] : memref<4096x768xf32, #tpu.memory_space<hbm>> -> memref<64x768xf32, #tpu.memory_space<hbm>>
      tpu.wait_dma2 semaphore(%run_scoped3A : memref<!tpu.dma_semaphore, #tpu.memory_space<semaphore_mem>>) src(%arg7 : memref<64x768xf32, #tpu.memory_space<vmem>>) dst(%dma_wait3A_71 : memref<64x768xf32, #tpu.memory_space<hbm>>)
      tpu.yield
    }) : () -> ()
    return
  }
}

#map = affine_map<(d0, d1) -> (0)>
#map1 = affine_map<(d0, d1) -> (0, 0)>
module attributes {stable_mosaic.version = 14 : i64} {
  func.func @_sc_gather_body(%arg0: i32, %arg1: i32, %arg2: memref<8192xi32, #tpu.memory_space<hbm>>, %arg3: memref<100000x768xf32, #tpu.memory_space<hbm>>, %arg4: memref<4096x768xf32, #tpu.memory_space<hbm>>, %arg5: memref<128xi32, #tpu.memory_space<vmem>>, %arg6: memref<64x768xf32, #tpu.memory_space<vmem>>, %arg7: memref<64x768xf32, #tpu.memory_space<vmem>>, %arg8: memref<!tpu.dma_semaphore, #tpu.memory_space<semaphore_mem>>, %arg9: memref<!tpu.dma_semaphore, #tpu.memory_space<semaphore_mem>>) attributes {dimension_semantics = [#tpu.dimension_semantics<core_parallel>, #tpu.dimension_semantics<subcore_parallel>], iteration_bounds = array<i64: 2, 16>, scalar_prefetch = 0 : i64, scratch_operands = 5 : i64, tpu.core_type = #tpu.core_type<sc_vector_subcore>, window_params = [{transform_indices = #map}, {transform_indices = #map1}, {transform_indices = #map1}]} {
    %mul3A = arith.constant 2 : i32
    %mul3A_0 = arith.muli %arg1, %mul3A : i32
    %add3A = arith.addi %mul3A_0, %arg0 : i32
    %jit3A = arith.constant 8 : i32
    %div3A = arith.divsi %add3A, %jit3A : i32
    %sign3A = arith.constant 0 : i32
    %sign3A_1 = arith.cmpi sgt, %add3A, %sign3A : i32
    %sign3A_2 = arith.extui %sign3A_1 : i1 to i32
    %sign3A_3 = arith.constant 0 : i32
    %sign3A_4 = arith.cmpi slt, %add3A, %sign3A_3 : i32
    %sign3A_5 = arith.extui %sign3A_4 : i1 to i32
    %sign3A_6 = arith.subi %sign3A_2, %sign3A_5 : i32
    %sign3A_7 = arith.constant 0 : i32
    %sign3A_8 = arith.cmpi sgt, %jit3A, %sign3A_7 : i32
    %sign3A_9 = arith.extui %sign3A_8 : i1 to i32
    %sign3A_10 = arith.constant 0 : i32
    %sign3A_11 = arith.cmpi slt, %jit3A, %sign3A_10 : i32
    %sign3A_12 = arith.extui %sign3A_11 : i1 to i32
    %sign3A_13 = arith.subi %sign3A_9, %sign3A_12 : i32
    %ne3A = arith.cmpi ne, %sign3A_6, %sign3A_13 : i32
    %rem3A = arith.remsi %add3A, %jit3A : i32
    %ne3A_14 = arith.constant 0 : i32
    %ne3A_15 = arith.cmpi ne, %rem3A, %ne3A_14 : i32
    %and3A = arith.andi %ne3A, %ne3A_15 : i1
    %sub3A = arith.constant 1 : i32
    %sub3A_16 = arith.subi %div3A, %sub3A : i32
    %select_n3A = arith.select %and3A, %sub3A_16, %div3A : i32
    %mul3A_17 = arith.constant 2048 : i32
    %mul3A_18 = arith.muli %select_n3A, %mul3A_17 : i32
    %add3A_19 = arith.constant 1024 : i32
    %add3A_20 = arith.addi %mul3A_18, %add3A_19 : i32
    %jit3A_21 = arith.constant 8 : i32
    %eq3A = arith.constant 0 : i32
    %eq3A_22 = arith.cmpi eq, %jit3A_21, %eq3A : i32
    %jit3A_23 = arith.constant 1 : i32
    %select_n3A_24 = arith.select %eq3A_22, %jit3A_23, %jit3A_21 : i32
    %rem3A_25 = arith.remsi %add3A, %select_n3A_24 : i32
    %ne3A_26 = arith.constant 0 : i32
    %ne3A_27 = arith.cmpi ne, %rem3A_25, %ne3A_26 : i32
    %lt3A = arith.constant 0 : i32
    %lt3A_28 = arith.cmpi slt, %rem3A_25, %lt3A : i32
    %lt3A_29 = arith.constant 0 : i32
    %lt3A_30 = arith.cmpi slt, %select_n3A_24, %lt3A_29 : i32
    %ne3A_31 = arith.xori %lt3A_28, %lt3A_30 : i1
    %and3A_32 = arith.andi %ne3A_31, %ne3A_27 : i1
    %add3A_33 = arith.addi %rem3A_25, %select_n3A_24 : i32
    %select_n3A_34 = arith.select %and3A_32, %add3A_33, %rem3A_25 : i32
    %mul3A_35 = arith.constant 128 : i32
    %mul3A_36 = arith.muli %mul3A_35, %select_n3A_34 : i32
    %add3A_37 = arith.addi %add3A_20, %mul3A_36 : i32
    "tpu.region"() ({
      %run_scoped3A = tpu.sem_alloc : memref<!tpu.dma_semaphore, #tpu.memory_space<semaphore_mem>>
      %dma_start3A_64 = tpu.memref_slice %arg2[%add3A_37] : memref<8192xi32, #tpu.memory_space<hbm>> -> memref<128xi32, #tpu.memory_space<hbm>>
      %dma_start3A_65 = tpu.memref_slice %arg2[%add3A_37] : memref<8192xi32, #tpu.memory_space<hbm>> -> memref<128xi32, #tpu.memory_space<hbm>>
      tpu.enqueue_dma source(%dma_start3A_65 : memref<128xi32, #tpu.memory_space<hbm>>) target(%arg5 : memref<128xi32, #tpu.memory_space<vmem>>) target_semaphore(%run_scoped3A : memref<!tpu.dma_semaphore, #tpu.memory_space<semaphore_mem>>)
      %dma_wait3A_66 = tpu.memref_slice %arg2[%add3A_37] : memref<8192xi32, #tpu.memory_space<hbm>> -> memref<128xi32, #tpu.memory_space<hbm>>
      %dma_wait3A_67 = tpu.memref_slice %arg2[%add3A_37] : memref<8192xi32, #tpu.memory_space<hbm>> -> memref<128xi32, #tpu.memory_space<hbm>>
      tpu.wait_dma2 semaphore(%run_scoped3A : memref<!tpu.dma_semaphore, #tpu.memory_space<semaphore_mem>>) src(%dma_wait3A_67 : memref<128xi32, #tpu.memory_space<hbm>>) dst(%arg5 : memref<128xi32, #tpu.memory_space<vmem>>)
      tpu.yield
    }) : () -> ()
    %dma_start3A = arith.constant 0 : i32
    %dma_start3A_38 = tpu.memref_slice %arg5[%dma_start3A] : memref<128xi32, #tpu.memory_space<vmem>> -> memref<64xi32, #tpu.memory_space<vmem>>
    %dma_start3A_39 = arith.constant 0 : i32
    %dma_start3A_40 = arith.constant 0 : i32
    %dma_start3A_41 = tpu.memref_slice %arg3[%dma_start3A_39, %dma_start3A_40] : memref<100000x768xf32, #tpu.memory_space<hbm>> -> memref<100000x768xf32, #tpu.memory_space<hbm>>
    tpu.enqueue_indirect_dma source(%dma_start3A_41 : memref<100000x768xf32, #tpu.memory_space<hbm>>) target(%arg6 : memref<64x768xf32, #tpu.memory_space<vmem>>) offsets(%dma_start3A_38 : memref<64xi32, #tpu.memory_space<vmem>>) semaphore(%arg8 : memref<!tpu.dma_semaphore, #tpu.memory_space<semaphore_mem>>)
    %dma_start3A_42 = arith.constant 64 : i32
    %dma_start3A_43 = tpu.memref_slice %arg5[%dma_start3A_42] : memref<128xi32, #tpu.memory_space<vmem>> -> memref<64xi32, #tpu.memory_space<vmem>>
    %dma_start3A_44 = arith.constant 0 : i32
    %dma_start3A_45 = arith.constant 0 : i32
    %dma_start3A_46 = tpu.memref_slice %arg3[%dma_start3A_44, %dma_start3A_45] : memref<100000x768xf32, #tpu.memory_space<hbm>> -> memref<100000x768xf32, #tpu.memory_space<hbm>>
    tpu.enqueue_indirect_dma source(%dma_start3A_46 : memref<100000x768xf32, #tpu.memory_space<hbm>>) target(%arg7 : memref<64x768xf32, #tpu.memory_space<vmem>>) offsets(%dma_start3A_43 : memref<64xi32, #tpu.memory_space<vmem>>) semaphore(%arg9 : memref<!tpu.dma_semaphore, #tpu.memory_space<semaphore_mem>>)
    %dma_wait3A = arith.constant 0 : i32
    %dma_wait3A_47 = tpu.memref_slice %arg5[%dma_wait3A] : memref<128xi32, #tpu.memory_space<vmem>> -> memref<64xi32, #tpu.memory_space<vmem>>
    %dma_wait3A_48 = arith.constant 0 : i32
    %dma_wait3A_49 = arith.constant 0 : i32
    %dma_wait3A_50 = tpu.memref_slice %arg3[%dma_wait3A_48, %dma_wait3A_49] : memref<100000x768xf32, #tpu.memory_space<hbm>> -> memref<100000x768xf32, #tpu.memory_space<hbm>>
    tpu.wait_indirect_dma semaphore(%arg8 : memref<!tpu.dma_semaphore, #tpu.memory_space<semaphore_mem>>) src(%dma_wait3A_50 : memref<100000x768xf32, #tpu.memory_space<hbm>>) dst(%arg6 : memref<64x768xf32, #tpu.memory_space<vmem>>)
    %mul3A_51 = arith.constant 128 : i32
    %mul3A_52 = arith.muli %add3A, %mul3A_51 : i32
    %add3A_53 = arith.constant 0 : i32
    %add3A_54 = arith.addi %mul3A_52, %add3A_53 : i32
    "tpu.region"() ({
      %run_scoped3A = tpu.sem_alloc : memref<!tpu.dma_semaphore, #tpu.memory_space<semaphore_mem>>
      %dma_start3A_64 = arith.constant 0 : i32
      %dma_start3A_65 = tpu.memref_slice %arg4[%add3A_54, %dma_start3A_64] : memref<4096x768xf32, #tpu.memory_space<hbm>> -> memref<64x768xf32, #tpu.memory_space<hbm>>
      %dma_start3A_66 = arith.constant 0 : i32
      %dma_start3A_67 = tpu.memref_slice %arg4[%add3A_54, %dma_start3A_66] : memref<4096x768xf32, #tpu.memory_space<hbm>> -> memref<64x768xf32, #tpu.memory_space<hbm>>
      tpu.enqueue_dma source(%arg6 : memref<64x768xf32, #tpu.memory_space<vmem>>) target(%dma_start3A_67 : memref<64x768xf32, #tpu.memory_space<hbm>>) target_semaphore(%run_scoped3A : memref<!tpu.dma_semaphore, #tpu.memory_space<semaphore_mem>>)
      %dma_wait3A_68 = arith.constant 0 : i32
      %dma_wait3A_69 = tpu.memref_slice %arg4[%add3A_54, %dma_wait3A_68] : memref<4096x768xf32, #tpu.memory_space<hbm>> -> memref<64x768xf32, #tpu.memory_space<hbm>>
      %dma_wait3A_70 = arith.constant 0 : i32
      %dma_wait3A_71 = tpu.memref_slice %arg4[%add3A_54, %dma_wait3A_70] : memref<4096x768xf32, #tpu.memory_space<hbm>> -> memref<64x768xf32, #tpu.memory_space<hbm>>
      tpu.wait_dma2 semaphore(%run_scoped3A : memref<!tpu.dma_semaphore, #tpu.memory_space<semaphore_mem>>) src(%arg6 : memref<64x768xf32, #tpu.memory_space<vmem>>) dst(%dma_wait3A_71 : memref<64x768xf32, #tpu.memory_space<hbm>>)
      tpu.yield
    }) : () -> ()
    %dma_wait3A_55 = arith.constant 64 : i32
    %dma_wait3A_56 = tpu.memref_slice %arg5[%dma_wait3A_55] : memref<128xi32, #tpu.memory_space<vmem>> -> memref<64xi32, #tpu.memory_space<vmem>>
    %dma_wait3A_57 = arith.constant 0 : i32
    %dma_wait3A_58 = arith.constant 0 : i32
    %dma_wait3A_59 = tpu.memref_slice %arg3[%dma_wait3A_57, %dma_wait3A_58] : memref<100000x768xf32, #tpu.memory_space<hbm>> -> memref<100000x768xf32, #tpu.memory_space<hbm>>
    tpu.wait_indirect_dma semaphore(%arg9 : memref<!tpu.dma_semaphore, #tpu.memory_space<semaphore_mem>>) src(%dma_wait3A_59 : memref<100000x768xf32, #tpu.memory_space<hbm>>) dst(%arg7 : memref<64x768xf32, #tpu.memory_space<vmem>>)
    %mul3A_60 = arith.constant 128 : i32
    %mul3A_61 = arith.muli %add3A, %mul3A_60 : i32
    %add3A_62 = arith.constant 64 : i32
    %add3A_63 = arith.addi %mul3A_61, %add3A_62 : i32
    "tpu.region"() ({
      %run_scoped3A = tpu.sem_alloc : memref<!tpu.dma_semaphore, #tpu.memory_space<semaphore_mem>>
      %dma_start3A_64 = arith.constant 0 : i32
      %dma_start3A_65 = tpu.memref_slice %arg4[%add3A_63, %dma_start3A_64] : memref<4096x768xf32, #tpu.memory_space<hbm>> -> memref<64x768xf32, #tpu.memory_space<hbm>>
      %dma_start3A_66 = arith.constant 0 : i32
      %dma_start3A_67 = tpu.memref_slice %arg4[%add3A_63, %dma_start3A_66] : memref<4096x768xf32, #tpu.memory_space<hbm>> -> memref<64x768xf32, #tpu.memory_space<hbm>>
      tpu.enqueue_dma source(%arg7 : memref<64x768xf32, #tpu.memory_space<vmem>>) target(%dma_start3A_67 : memref<64x768xf32, #tpu.memory_space<hbm>>) target_semaphore(%run_scoped3A : memref<!tpu.dma_semaphore, #tpu.memory_space<semaphore_mem>>)
      %dma_wait3A_68 = arith.constant 0 : i32
      %dma_wait3A_69 = tpu.memref_slice %arg4[%add3A_63, %dma_wait3A_68] : memref<4096x768xf32, #tpu.memory_space<hbm>> -> memref<64x768xf32, #tpu.memory_space<hbm>>
      %dma_wait3A_70 = arith.constant 0 : i32
      %dma_wait3A_71 = tpu.memref_slice %arg4[%add3A_63, %dma_wait3A_70] : memref<4096x768xf32, #tpu.memory_space<hbm>> -> memref<64x768xf32, #tpu.memory_space<hbm>>
      tpu.wait_dma2 semaphore(%run_scoped3A : memref<!tpu.dma_semaphore, #tpu.memory_space<semaphore_mem>>) src(%arg7 : memref<64x768xf32, #tpu.memory_space<vmem>>) dst(%dma_wait3A_71 : memref<64x768xf32, #tpu.memory_space<hbm>>)
      tpu.yield
    }) : () -> ()
    return
  }
}

module attributes {stable_mosaic.version = 14 : i64} {
  func.func @_ln_first_body(%arg0: i32, %arg1: i32, %arg2: memref<1024x768xf32, #tpu.memory_space<vmem>>, %arg3: memref<1024x768xf32, #tpu.memory_space<vmem>>, %arg4: memref<1x768xf32, #tpu.memory_space<vmem>>, %arg5: memref<1x768xf32, #tpu.memory_space<vmem>>, %arg6: memref<1x768xf32, #tpu.memory_space<vmem>>, %arg7: memref<1024x768xf32, #tpu.memory_space<vmem>>) attributes {dimension_semantics = [#tpu.dimension_semantics<arbitrary>, #tpu.dimension_semantics<arbitrary>], iteration_bounds = array<i64: 1, 4>, scalar_prefetch = 0 : i64, scratch_operands = 0 : i64, tpu.core_type = #tpu.core_type<tc>, window_params = [{transform_indices = @transform_0, window_bounds = array<i64: 1024, 768>}, {transform_indices = @transform_1, window_bounds = array<i64: 1024, 768>}, {pipeline_mode = #tpu.pipeline_mode<synchronous>, transform_indices = @transform_2, window_bounds = array<i64: 1, 768>}, {pipeline_mode = #tpu.pipeline_mode<synchronous>, transform_indices = @transform_3, window_bounds = array<i64: 1, 768>}, {pipeline_mode = #tpu.pipeline_mode<synchronous>, transform_indices = @transform_4, window_bounds = array<i64: 1, 768>}, {transform_indices = @transform_5, window_bounds = array<i64: 1024, 768>}]} {
    %get3A = arith.constant 0 : index
    %get3A_0 = arith.constant 0 : index
    %get3A_1 = vector.load %arg2[%get3A, %get3A_0] : memref<1024x768xf32, #tpu.memory_space<vmem>>, vector<1024x768xf32>
    %get3A_2 = arith.constant 0 : index
    %get3A_3 = arith.constant 0 : index
    %get3A_4 = vector.load %arg3[%get3A_2, %get3A_3] : memref<1024x768xf32, #tpu.memory_space<vmem>>, vector<1024x768xf32>
    %add3A = arith.addf %get3A_1, %get3A_4 : vector<1024x768xf32>
    %get3A_5 = arith.constant 0 : index
    %get3A_6 = arith.constant 0 : index
    %get3A_7 = vector.load %arg4[%get3A_5, %get3A_6] : memref<1x768xf32, #tpu.memory_space<vmem>>, vector<1x768xf32>
    %add3A_8 = vector.broadcast %get3A_7 : vector<1x768xf32> to vector<1024x768xf32>
    %add3A_9 = arith.addf %add3A, %add3A_8 : vector<1024x768xf32>
    %reduce_sum3A = arith.constant dense<0.000000e+00> : vector<1024xf32>
    %reduce_sum3A_10 = vector.multi_reduction <add>, %add3A_9, %reduce_sum3A [1] : vector<1024x768xf32> to vector<1024xf32>
    %broadcast_in_dim3A = vector.shape_cast %reduce_sum3A_10 : vector<1024xf32> to vector<1024x1xf32>
    %div3A = arith.constant 7.680000e+02 : f32
    %div3A_11 = vector.broadcast %div3A : f32 to vector<1024x1xf32>
    %div3A_12 = arith.divf %broadcast_in_dim3A, %div3A_11 : vector<1024x1xf32>
    %sub3A = vector.broadcast %div3A_12 : vector<1024x1xf32> to vector<1024x768xf32>
    %sub3A_13 = arith.subf %add3A_9, %sub3A : vector<1024x768xf32>
    %mul3A = arith.mulf %sub3A_13, %sub3A_13 : vector<1024x768xf32>
    %reduce_sum3A_14 = arith.constant dense<0.000000e+00> : vector<1024xf32>
    %reduce_sum3A_15 = vector.multi_reduction <add>, %mul3A, %reduce_sum3A_14 [1] : vector<1024x768xf32> to vector<1024xf32>
    %broadcast_in_dim3A_16 = vector.shape_cast %reduce_sum3A_15 : vector<1024xf32> to vector<1024x1xf32>
    %div3A_17 = arith.constant 7.680000e+02 : f32
    %div3A_18 = vector.broadcast %div3A_17 : f32 to vector<1024x1xf32>
    %div3A_19 = arith.divf %broadcast_in_dim3A_16, %div3A_18 : vector<1024x1xf32>
    %add3A_20 = arith.constant 9.99999996E-13 : f32
    %add3A_21 = vector.broadcast %add3A_20 : f32 to vector<1024x1xf32>
    %add3A_22 = arith.addf %div3A_19, %add3A_21 : vector<1024x1xf32>
    %rsqrt3A = math.rsqrt %add3A_22 : vector<1024x1xf32>
    %mul3A_23 = vector.broadcast %rsqrt3A : vector<1024x1xf32> to vector<1024x768xf32>
    %mul3A_24 = arith.mulf %sub3A_13, %mul3A_23 : vector<1024x768xf32>
    %get3A_25 = arith.constant 0 : index
    %get3A_26 = arith.constant 0 : index
    %get3A_27 = vector.load %arg5[%get3A_25, %get3A_26] : memref<1x768xf32, #tpu.memory_space<vmem>>, vector<1x768xf32>
    %mul3A_28 = vector.broadcast %get3A_27 : vector<1x768xf32> to vector<1024x768xf32>
    %mul3A_29 = arith.mulf %mul3A_24, %mul3A_28 : vector<1024x768xf32>
    %get3A_30 = arith.constant 0 : index
    %get3A_31 = arith.constant 0 : index
    %get3A_32 = vector.load %arg6[%get3A_30, %get3A_31] : memref<1x768xf32, #tpu.memory_space<vmem>>, vector<1x768xf32>
    %add3A_33 = vector.broadcast %get3A_32 : vector<1x768xf32> to vector<1024x768xf32>
    %add3A_34 = arith.addf %mul3A_29, %add3A_33 : vector<1024x768xf32>
    %swap3A = arith.constant 0 : index
    %swap3A_35 = arith.constant 0 : index
    %swap3A_36 = vector.load %arg7[%swap3A, %swap3A_35] : memref<1024x768xf32, #tpu.memory_space<vmem>>, vector<1024x768xf32>
    tpu.vector_store %arg7[%swap3A, %swap3A_35], %add3A_34 {strides = array<i32>} : memref<1024x768xf32, #tpu.memory_space<vmem>>, vector<1024x768xf32>,
    return
  }
  func.func @transform_0(%arg0: i32, %arg1: i32) -> (i32, i32) {
    %mul3A = arith.constant 1 : i32
    %mul3A_0 = arith.muli %arg1, %mul3A : i32
    %add3A = arith.addi %mul3A_0, %arg0 : i32
    %c0_i32 = arith.constant 0 : i32
    %c0_i32_1 = arith.constant 0 : i32
    return %add3A, %c0_i32 : i32, i32
  }
  func.func @transform_1(%arg0: i32, %arg1: i32) -> (i32, i32) {
    %add3A = arith.constant 0 : i32
    %add3A_0 = arith.addi %add3A, %arg0 : i32
    %c0_i32 = arith.constant 0 : i32
    %c0_i32_1 = arith.constant 0 : i32
    return %add3A_0, %c0_i32 : i32, i32
  }
  func.func @transform_2(%arg0: i32, %arg1: i32) -> (i32, i32) {
    %c0_i32 = arith.constant 0 : i32
    %c0_i32_0 = arith.constant 0 : i32
    %c0_i32_1 = arith.constant 0 : i32
    return %c0_i32, %c0_i32_0 : i32, i32
  }
  func.func @transform_3(%arg0: i32, %arg1: i32) -> (i32, i32) {
    %c0_i32 = arith.constant 0 : i32
    %c0_i32_0 = arith.constant 0 : i32
    %c0_i32_1 = arith.constant 0 : i32
    return %c0_i32, %c0_i32_0 : i32, i32
  }
  func.func @transform_4(%arg0: i32, %arg1: i32) -> (i32, i32) {
    %c0_i32 = arith.constant 0 : i32
    %c0_i32_0 = arith.constant 0 : i32
    %c0_i32_1 = arith.constant 0 : i32
    return %c0_i32, %c0_i32_0 : i32, i32
  }
  func.func @transform_5(%arg0: i32, %arg1: i32) -> (i32, i32) {
    %mul3A = arith.constant 2 : i32
    %mul3A_0 = arith.muli %arg1, %mul3A : i32
    %add3A = arith.constant 0 : i32
    %add3A_1 = arith.addi %mul3A_0, %add3A : i32
    %add3A_2 = arith.addi %add3A_1, %arg0 : i32
    %c0_i32 = arith.constant 0 : i32
    %c0_i32_3 = arith.constant 0 : i32
    return %add3A_2, %c0_i32 : i32, i32
  }
}

module attributes {stable_mosaic.version = 14 : i64} {
  func.func @_ln_chain_body(%arg0: i32, %arg1: i32, %arg2: memref<1024x768xf32, #tpu.memory_space<vmem>>, %arg3: memref<1024x768xf32, #tpu.memory_space<vmem>>, %arg4: memref<1x768xf32, #tpu.memory_space<vmem>>, %arg5: memref<1x768xf32, #tpu.memory_space<vmem>>, %arg6: memref<1x768xf32, #tpu.memory_space<vmem>>, %arg7: memref<8192x768xf32, #tpu.memory_space<hbm>>, %arg8: memref<1024x768xf32, #tpu.memory_space<vmem>>) attributes {dimension_semantics = [#tpu.dimension_semantics<arbitrary>, #tpu.dimension_semantics<arbitrary>], iteration_bounds = array<i64: 1, 4>, scalar_prefetch = 0 : i64, scratch_operands = 0 : i64, tpu.core_type = #tpu.core_type<tc>, window_params = [{transform_indices = @transform_0, window_bounds = array<i64: 1024, 768>}, {transform_indices = @transform_1, window_bounds = array<i64: 1024, 768>}, {pipeline_mode = #tpu.pipeline_mode<synchronous>, transform_indices = @transform_2, window_bounds = array<i64: 1, 768>}, {pipeline_mode = #tpu.pipeline_mode<synchronous>, transform_indices = @transform_3, window_bounds = array<i64: 1, 768>}, {pipeline_mode = #tpu.pipeline_mode<synchronous>, transform_indices = @transform_4, window_bounds = array<i64: 1, 768>}, {}, {transform_indices = @transform_6, window_bounds = array<i64: 1024, 768>}]} {
    %get3A = arith.constant 0 : index
    %get3A_0 = arith.constant 0 : index
    %get3A_1 = vector.load %arg2[%get3A, %get3A_0] : memref<1024x768xf32, #tpu.memory_space<vmem>>, vector<1024x768xf32>
    %get3A_2 = arith.constant 0 : index
    %get3A_3 = arith.constant 0 : index
    %get3A_4 = vector.load %arg3[%get3A_2, %get3A_3] : memref<1024x768xf32, #tpu.memory_space<vmem>>, vector<1024x768xf32>
    %add3A = arith.addf %get3A_1, %get3A_4 : vector<1024x768xf32>
    %get3A_5 = arith.constant 0 : index
    %get3A_6 = arith.constant 0 : index
    %get3A_7 = vector.load %arg4[%get3A_5, %get3A_6] : memref<1x768xf32, #tpu.memory_space<vmem>>, vector<1x768xf32>
    %add3A_8 = vector.broadcast %get3A_7 : vector<1x768xf32> to vector<1024x768xf32>
    %add3A_9 = arith.addf %add3A, %add3A_8 : vector<1024x768xf32>
    %reduce_sum3A = arith.constant dense<0.000000e+00> : vector<1024xf32>
    %reduce_sum3A_10 = vector.multi_reduction <add>, %add3A_9, %reduce_sum3A [1] : vector<1024x768xf32> to vector<1024xf32>
    %broadcast_in_dim3A = vector.shape_cast %reduce_sum3A_10 : vector<1024xf32> to vector<1024x1xf32>
    %div3A = arith.constant 7.680000e+02 : f32
    %div3A_11 = vector.broadcast %div3A : f32 to vector<1024x1xf32>
    %div3A_12 = arith.divf %broadcast_in_dim3A, %div3A_11 : vector<1024x1xf32>
    %sub3A = vector.broadcast %div3A_12 : vector<1024x1xf32> to vector<1024x768xf32>
    %sub3A_13 = arith.subf %add3A_9, %sub3A : vector<1024x768xf32>
    %mul3A = arith.mulf %sub3A_13, %sub3A_13 : vector<1024x768xf32>
    %reduce_sum3A_14 = arith.constant dense<0.000000e+00> : vector<1024xf32>
    %reduce_sum3A_15 = vector.multi_reduction <add>, %mul3A, %reduce_sum3A_14 [1] : vector<1024x768xf32> to vector<1024xf32>
    %broadcast_in_dim3A_16 = vector.shape_cast %reduce_sum3A_15 : vector<1024xf32> to vector<1024x1xf32>
    %div3A_17 = arith.constant 7.680000e+02 : f32
    %div3A_18 = vector.broadcast %div3A_17 : f32 to vector<1024x1xf32>
    %div3A_19 = arith.divf %broadcast_in_dim3A_16, %div3A_18 : vector<1024x1xf32>
    %add3A_20 = arith.constant 9.99999996E-13 : f32
    %add3A_21 = vector.broadcast %add3A_20 : f32 to vector<1024x1xf32>
    %add3A_22 = arith.addf %div3A_19, %add3A_21 : vector<1024x1xf32>
    %rsqrt3A = math.rsqrt %add3A_22 : vector<1024x1xf32>
    %mul3A_23 = vector.broadcast %rsqrt3A : vector<1024x1xf32> to vector<1024x768xf32>
    %mul3A_24 = arith.mulf %sub3A_13, %mul3A_23 : vector<1024x768xf32>
    %get3A_25 = arith.constant 0 : index
    %get3A_26 = arith.constant 0 : index
    %get3A_27 = vector.load %arg5[%get3A_25, %get3A_26] : memref<1x768xf32, #tpu.memory_space<vmem>>, vector<1x768xf32>
    %mul3A_28 = vector.broadcast %get3A_27 : vector<1x768xf32> to vector<1024x768xf32>
    %mul3A_29 = arith.mulf %mul3A_24, %mul3A_28 : vector<1024x768xf32>
    %get3A_30 = arith.constant 0 : index
    %get3A_31 = arith.constant 0 : index
    %get3A_32 = vector.load %arg6[%get3A_30, %get3A_31] : memref<1x768xf32, #tpu.memory_space<vmem>>, vector<1x768xf32>
    %add3A_33 = vector.broadcast %get3A_32 : vector<1x768xf32> to vector<1024x768xf32>
    %add3A_34 = arith.addf %mul3A_29, %add3A_33 : vector<1024x768xf32>
    %swap3A = arith.constant 0 : index
    %swap3A_35 = arith.constant 0 : index
    %swap3A_36 = vector.load %arg8[%swap3A, %swap3A_35] : memref<1024x768xf32, #tpu.memory_space<vmem>>, vector<1024x768xf32>
    tpu.vector_store %arg8[%swap3A, %swap3A_35], %add3A_34 {strides = array<i32>} : memref<1024x768xf32, #tpu.memory_space<vmem>>, vector<1024x768xf32>,
    return
  }
  func.func @transform_0(%arg0: i32, %arg1: i32) -> (i32, i32) {
    %mul3A = arith.constant 1 : i32
    %mul3A_0 = arith.muli %arg1, %mul3A : i32
    %add3A = arith.addi %mul3A_0, %arg0 : i32
    %c0_i32 = arith.constant 0 : i32
    %c0_i32_1 = arith.constant 0 : i32
    return %add3A, %c0_i32 : i32, i32
  }
  func.func @transform_1(%arg0: i32, %arg1: i32) -> (i32, i32) {
    %add3A = arith.constant 1 : i32
    %add3A_0 = arith.addi %add3A, %arg0 : i32
    %c0_i32 = arith.constant 0 : i32
    %c0_i32_1 = arith.constant 0 : i32
    return %add3A_0, %c0_i32 : i32, i32
  }
  func.func @transform_2(%arg0: i32, %arg1: i32) -> (i32, i32) {
    %c0_i32 = arith.constant 0 : i32
    %c0_i32_0 = arith.constant 0 : i32
    %c0_i32_1 = arith.constant 0 : i32
    return %c0_i32, %c0_i32_0 : i32, i32
  }
  func.func @transform_3(%arg0: i32, %arg1: i32) -> (i32, i32) {
    %c0_i32 = arith.constant 0 : i32
    %c0_i32_0 = arith.constant 0 : i32
    %c0_i32_1 = arith.constant 0 : i32
    return %c0_i32, %c0_i32_0 : i32, i32
  }
  func.func @transform_4(%arg0: i32, %arg1: i32) -> (i32, i32) {
    %c0_i32 = arith.constant 0 : i32
    %c0_i32_0 = arith.constant 0 : i32
    %c0_i32_1 = arith.constant 0 : i32
    return %c0_i32, %c0_i32_0 : i32, i32
  }
  func.func @transform_6(%arg0: i32, %arg1: i32) -> (i32, i32) {
    %mul3A = arith.constant 2 : i32
    %mul3A_0 = arith.muli %arg1, %mul3A : i32
    %add3A = arith.constant 1 : i32
    %add3A_1 = arith.addi %mul3A_0, %add3A : i32
    %add3A_2 = arith.addi %add3A_1, %arg0 : i32
    %c0_i32 = arith.constant 0 : i32
    %c0_i32_3 = arith.constant 0 : i32
    return %add3A_2, %c0_i32 : i32, i32
  }
}

</mosaic_0001>

<sc_bundles>
// kernel: _bert_embed.6.cloned.1.call-start
scs
__scs_entry_jumppad:
0x0: {  	(pc) =	sbr.rel $0x88, $3  }
0x1: {  	(tag) =	ssettag $0x0;
	lr =	simm.s32 $0x1  }
0x2: {  	[smem:$0x3F9B] =	sst lr;
	_ =	strace $0xD0000000  }
0x3: {  	_ = 	snop  }
0x4: {  	_ = 	snop  }
0x5: {  	_ = 	snop  }
0x6: {  	_ = 	snop  }
0x7: {  	_ = 	snop  }
__scs_overlays_trampoline_lowered:
0x8: {  	[smem:$0x3FAA] =	sst s0  }
0x9: {  	[smem:$0x3FAB] =	sst s1  }
0xa: {  	[smem:$0x3FAC] =	sst s2  }
0xb: {  	[smem:$0x3FAD] =	sst s3  }
0xc: {  	[smem:$0x3FAE] =	sst s4  }
0xd: {  	[smem:$0x3FAF] =	sst s5  }
0xe: {  	[smem:$0x3FB0] =	sst s6  }
0xf: {  	[smem:$0x3FB1] =	sst s7  }
0x10: {  	[smem:$0x3FB2] =	sst s8  }
0x11: {  	[smem:$0x3FB3] =	sst s9;
	s0 =	simm.s32 @!p0 $0x0  }
0x12: {  	s1 =	sld [smem:$0x3F99];
	s0 =	simm.s32 @p0 $0x1  }
0x13: {  	[smem:$0x3FB4] =	sst s0;
	s0 =	simm.s32 @!p1 $0x0  }
0x14: {  	s2 =	sld [smem:$0x3F98];
	s0 =	simm.s32 @p1 $0x1  }
0x15: {  	[smem:$0x3FB5] =	sst s0;
	s0 =	simm.s32 @!p2 $0x0  }
0x16: {  	s3 =	sld [smem:$0x3FDB];
	s0 =	simm.s32 @p2 $0x1  }
0x17: {  	s4 =	simm.s32 $0x1BF5;
	[smem:$0x3FB7] =	sst s0  }
0x18: {  	s0 =	sld [smem:$0x3F9A];
	_ =	swait.ge [sflag:s4], $0x0  }
0x19: {  	s7 =	sld [smem:$0x3F9B]  }
0x1a: {  	s8 =	sadd.s32 $0xFFFFE003, lr  }
0x1b: {  	s9 =	sadd.s32 $0xFFFFFEF7, lr;
	s5 =	simm.s32 $0xFFFFFFFF;
	p2 =	slt.u32 s8, $0xFFFFF086  }
0x1c: {  	p1 =	slt.u32 s9, $0xF7A;
	s5 =	simm.s32 @!p2 $0x0  }
0x1d: {  	s5 =	simm.s32 @p1 $0x1;
	p0 =	seq.s32 s7, s2  }
0x1e: {  	s7 =	smul.u32 @!p0 $0xF7A, s2;
	p2 =	seq.s32 @!p0 s5, $0x0  }
0x1f: {  	s9 =	smul.u32 $0xF7A, s1;
	s8 =	simm.s32 @!p0 $0x1BF5;
	p2 =	por !p2, p0  }
0x20: {  	[sflag:s8] =	ssyncset.s32 @!p0 $0xFFFFF086;
	s6 =	sadd.s32 @!p0 s3, s7;
	s7 =	simm.s32 @!p0 $0x108  }
0x21: {  	s3 =	sadd.s32 s3, s9;
	s6 =	sadd.s32 @!p0 $0x88, s6;
	s7 =	simm.s32 @p2 $0x1082  }
0x22: {  	[simem:s7], [sflag:s8] =	dma.local @!p0 [hbm:s6], $0xF7A  }
0x23: {  	s9 =	sor.u32 $0xD0000000, s2;
	s6 =	simm.s32 $0x108;
	_ =	swait.ge @!p0 [sflag:s8], $0x0  }
0x24: {  	s3 =	sadd.s32 $0x88, s3;
	s6 =	simm.s32 @!p1 $0x1082;
	[sflag:s4] =	ssyncset.s32 $0xFFFFF086  }
0x25: {  	[simem:s6], [sflag:s4] =	dma.local [hbm:s3], $0xF7A  }
0x26: {  	[smem:$0x3F9B] =	sst s1;
	(tag) =	ssettag s2;
	_ =	strace s9  }
0x27: {  	s1 =	sld [smem:$0x3FAB]  }
0x28: {  	s2 =	sld [smem:$0x3FAC]  }
0x29: {  	s4 =	sld [smem:$0x3FAE]  }
0x2a: {  	p0 =	seq.s32 s5, $0x0;
	s5 =	sld [smem:$0x3FAF]  }
0x2b: {  	s6 =	sld [smem:$0x3FB0]  }
0x2c: {  	s7 =	sld [smem:$0x3FB1]  }
0x2d: {  	s3 =	simm.s32 $0x108;
	s8 =	sld [smem:$0x3FB2]  }
0x2e: {  	s3 =	simm.s32 @!p0 $0x1082;
	s9 =	sld [smem:$0x3FB3]  }
0x2f: {  	lr =	sadd.s32 s0, s3;
	s0 =	sld [smem:$0x3FAA]  }
0x30: {  	s3 =	sld [smem:$0x3FAD]  }
0x31: {  	[smem:$0x3FB6] =	sst s10  }
0x32: {  	s10 =	sld [smem:$0x3FB4];
	_ =	sdelay $0x3  }
0x33: {  	p0 =	seq.s32 s10, $0x1;
	s10 =	sld [smem:$0x3FB6];
	_ =	sdelay $0x3  }
0x34: {  	[smem:$0x3FB6] =	sst s10  }
0x35: {  	s10 =	sld [smem:$0x3FB5];
	_ =	sdelay $0x3  }
0x36: {  	p1 =	seq.s32 s10, $0x1;
	s10 =	sld [smem:$0x3FB6];
	_ =	sdelay $0x3  }
0x37: {  	[smem:$0x3FB6] =	sst s10  }
0x38: {  	s10 =	sld [smem:$0x3FB7]  }
0x39: {  	_ = 	snop;
	(pc) =	sbr.ind lr, $3  }
0x3a: {  	_ = 	snop  }
0x3b: {  	_ = 	snop  }
0x3c: {  	p2 =	seq.s32 s10, $0x1;
	s10 =	sld [smem:$0x3FB6]  }
0x3d: {  	_ =	shalt  }
0x3e: {  	_ =	shalt  }
0x3f: {  	_ =	shalt  }
0x40: {  	_ =	shalt  }
0x41: {  	_ =	shalt  }
0x42: {  	_ =	shalt  }
0x43: {  	_ =	shalt  }
0x44: {  	_ =	shalt  }
0x45: {  	_ =	shalt  }
0x46: {  	_ =	shalt  }
0x47: {  	_ =	shalt  }
0x48: {  	_ =	shalt  }
0x49: {  	_ =	shalt  }
0x4a: {  	_ =	shalt  }
0x4b: {  	_ =	shalt  }
0x4c: {  	_ =	shalt  }
0x4d: {  	_ =	shalt  }
0x4e: {  	_ =	shalt  }
0x4f: {  	_ =	shalt  }
0x50: {  	_ =	shalt  }
0x51: {  	_ =	shalt  }
0x52: {  	_ =	shalt  }
0x53: {  	_ =	shalt  }
0x54: {  	_ =	shalt  }
0x55: {  	_ =	shalt  }
0x56: {  	_ =	shalt  }
0x57: {  	_ =	shalt  }
0x58: {  	_ =	shalt  }
0x59: {  	_ =	shalt  }
0x5a: {  	_ =	shalt  }
0x5b: {  	_ =	shalt  }
0x5c: {  	_ =	shalt  }
0x5d: {  	_ =	shalt  }
0x5e: {  	_ =	shalt  }
0x5f: {  	_ =	shalt  }
0x60: {  	_ =	shalt  }
0x61: {  	_ =	shalt  }
0x62: {  	_ =	shalt  }
0x63: {  	_ =	shalt  }
0x64: {  	_ =	shalt  }
0x65: {  	_ =	shalt  }
0x66: {  	_ =	shalt  }
0x67: {  	_ =	shalt  }
0x68: {  	_ =	shalt  }
0x69: {  	_ =	shalt  }
0x6a: {  	_ =	shalt  }
0x6b: {  	_ =	shalt  }
0x6c: {  	_ =	shalt  }
0x6d: {  	_ =	shalt  }
0x6e: {  	_ =	shalt  }
0x6f: {  	_ =	shalt  }
0x70: {  	_ =	shalt  }
0x71: {  	_ =	shalt  }
0x72: {  	_ =	shalt  }
0x73: {  	_ =	shalt  }
0x74: {  	_ =	shalt  }
0x75: {  	_ =	shalt  }
0x76: {  	_ =	shalt  }
0x77: {  	_ =	shalt  }
0x78: {  	_ =	shalt  }
0x79: {  	_ =	shalt  }
0x7a: {  	_ =	shalt  }
0x7b: {  	_ =	shalt  }
0x7c: {  	_ =	shalt  }
0x7d: {  	_ =	shalt  }
0x7e: {  	_ =	shalt  }
0x7f: {  	_ =	shalt  }
0x80: {  	_ =	shalt  }
0x81: {  	_ =	shalt  }
0x82: {  	_ =	shalt  }
0x83: {  	_ =	shalt  }
0x84: {  	_ =	shalt  }
0x85: {  	_ =	shalt  }
0x86: {  	_ =	shalt  }
0x87: {  	_ =	shalt  }
.Lfunc_end0:
.L_simem_size_0:
called_computation_lowered:
.L_overlay_start_0:
0x88: {  	s2 =	sld [smem:$0x3FD9]  }
0x89: {  	s3 =	sld [smem:$0x3FFE];
	_ =	sdelay $0x1  }
0x8a: {  	s1 =	srdreg.scid  }
0x8b: {  	s0 =	sand.u32 $0x1, s1  }
0x8c: {  	s17 =	sshll.u32 s0, $0xA;
	s2 =	sadd.s32 s3, s2  }
0x8d: {  	s2 =	sadd.s32 s2, s17  }
0x8e: {  	[smem:$0x3FC2] =	sst s2  }
0x8f: {  	_ = 	snop  }
0x90: {  	s2 =	sld [smem:$0x3FC8]  }
0x91: {  	s18 =	sld [smem:$0x3FD0];
	(tm) =	ssettm $0x1  }
0x92: {  	s4 =	sld [smem:$0x3FFB];
	_ =	sdelay $0x3  }
0x93: {  	_ =	strace s4  }
0x94: {  	s4 =	sld [smem:$0x3FFC];
	_ =	sdelay $0x3  }
0x95: {  	_ =	strace s4  }
0x96: {  	s4 =	sld [smem:$0x3FFD];
	_ =	sdelay $0x3  }
0x97: {  	_ =	strace s4  }
0x98: {  	_ =	strace $0x8FFFFFFF  }
0x99: {  	s19 =	sld [smem:$0x3FDB];
	_ =	sdelay $0x1  }
0x9a: {  	s5 =	simm.s32 $_scs_section_size  }
0x9b: {  	s6 =	simm.s32 $_size__tile_overlayer_lowered;
	s7 =	simm.s32 $_tile_overlayer_lowered  }
0x9c: {  	s22 =	simm.s32 $0x1BFF;
	s21 =	sshll.u32 s7, $0x1;
	s4 =	sadd.s32 s5, s19  }
0x9d: {  	s8 =	simm.s32 $0x0;
	s20 =	sshll.u32 s6, $0x1;
	s6 =	sadd.s32 s21, s4  }
0x9e: {  	[timem:s8], [sflag:s22] =	dma.local [hbm:s6], s20  }
0x9f: {  	_ =	swait.ge [sflag:s22], s20  }
0xa0: {  	s5 =	ssub.s32 $0x0, s20;
	[sflag:s22] =	ssyncset.done $0x0  }
0xa1: {  	[sflag:s22] =	ssyncadd.s32 s5;
	_ =	sdelay $0x1  }
0xa2: {  	s23 =	simm.s32 $0x1B8B  }
0xa3: {  	_ =	swait.ge [sflag:s23], $0x1  }
0xa4: {  	[sflag:s23] =	ssyncset.done $0x0  }
0xa5: {  	s25 =	simm.s32 $0x1B8E;
	s24 =	sld [smem:$0x3FFE];
	[sflag:s23] =	ssyncadd.s32 $0xFFFFFFFF  }
0xa6: {  	s26 =	simm.s32 $execute0_lowered;
	[smem:$0x3FD2] =	sst s25  }
0xa7: {  	s6 =	sshll.u32 s26, $0x1;
	_ =	strace $0x80000046;
	[dreg:$0x1] =	wrdreg $0xFFFFFFFF  }
0xa8: {  	s28 =	simm.s32 $_size_execute0_lowered;
	s4 =	sadd.s32 s4, s6;
	[dreg:$0x0] =	wrdreg $0x0  }
0xa9: {  	s6 =	sshll.u32 s28, $0x1;
	[dreg:$0x2] =	wrdreg s4  }
0xaa: {  	[dreg:$0x3] =	wrdreg s6  }
0xab: {  	[dreg:$0x4] =	wrdreg $0xC0  }
0xac: {  	_ =	task [dreg:s8], $0x5FFFF  }
0xad: {  	[dreg:$0x1] =	wrdreg $0xFFFFFFFF  }
0xae: {  	[dreg:$0x0] =	wrdreg $0x60  }
0xaf: {  	[dreg:$0x2] =	wrdreg s24  }
0xb0: {  	[dreg:$0x3] =	wrdreg s2  }
0xb1: {  	[dreg:$0x4] =	wrdreg s18  }
0xb2: {  	[dreg:$0x5] =	wrdreg $0x9  }
0xb3: {  	_ =	task.clear_ibuf [dreg:s8], $0x6FFFF;
	_ =	strace $0x90000046  }
0xb4: {  	s29 =	simm.s32 $0x9;
	_ =	strace $0x80000048  }
0xb5: {  	_ =	swait.ge [sflag:s29], $0x1  }
0xb6: {  	[sflag:s29] =	ssyncadd.s32 $0xFFFFFFFF  }
0xb7: {  	_ =	strace $0x90000048  }
0xb8: {  	_ =	sfence  }
0xb9: {  	s30 =	sld [smem:$0x0];
	_ =	sdelay $0x2  }
0xba: {  	s31 =	sshll.u32 s1, $0xD;
	s1 =	sshrl.u32 s1, $0x2  }
0xbb: {  	s3 =	sand.u32 $0x4000, s31;
	s1 =	sadd.s32 s1, s30  }
0xbc: {  	s0 =	sor.u32 s3, s0;
	s1 =	sshll.u32 s1, $0x11  }
0xbd: {  	s0 =	sor.u32 s1, s0  }
0xbe: {  	s0 =	sadd.s32 $0x8F2B, s0  }
0xbf: {  	[sflag:s0] =	ssyncadd.remote.s32 $0x1  }
0xc0: {  	_ =	sfence.sel $0xFFFF  }
0xc1: {  	[dreg:$0x0] =	wrdreg $0xFFFFFFFF;
	(pc) =	sbr.abs _section_cstart, $3  }
0xc2: {  	[dreg:$0x1] =	wrdreg $0xFFFFFFFF  }
0xc3: {  	_ =	task.clear_ibuf [dreg:s8], $0x2FFFF;
	_ =	strace $0x9FFFFFFF  }
0xc4: {  	(tm) =	ssettm $0x7FFFFFFF  }
0xc5: {  	_ =	shalt  }
tec
execute0_lowered:
.L_overlay_start_1:
0x0: {  	(tag) =	ssettag $0x1  }
0x1: {  	s1 =	rddreg [dreg:$0x0]  }
0x2: {  	s2 =	rddreg [dreg:$0x1]  }
0x3: {  	s0 =	stileid.u32;
	s3 =	srdreg.scid  }
0x4: {  	s4 =	rddreg [dreg:$0x2];
	s5 =	sand.u32 $0x1, s3;
	s3 =	simm.s32 $0x0  }
0x5: {  	s22 =	simm.s32 $0x880;
	s23 =	simm.s32 $0x1080;
	[smem:$0x7FF] =	sst s3  }
0x6: {  	s24 =	simm.s32 $0x1880;
	_ =	strace $0x80000047;
	[dreg:$0x7] =	wrdreg s22  }
0x7: {  	s25 =	simm.s32 $0x2080;
	s26 =	simm.s32 $0x2880;
	[dreg:$0x8] =	wrdreg s23  }
0x8: {  	s9 =	simm.s32 $0x5880;
	s10 =	simm.s32 $0x6080;
	[dreg:$0x9] =	wrdreg s24  }
0x9: {  	s11 =	simm.s32 $0x6880;
	s15 =	sshll.u32 s0, $0x1;
	[dreg:$0xa] =	wrdreg s25  }
0xa: {  	s6 =	sshll.u32 s0, $0x6;
	s0 =	simm.s32 $0x3080;
	[dreg:$0xb] =	wrdreg s26  }
0xb: {  	s12 =	simm.s32 $0x7080;
	s13 =	simm.s32 $0x7880;
	[dreg:$0xc] =	wrdreg s0  }
0xc: {  	s14 =	simm.s32 $0x8080;
	s28 =	simm.s32 $0x16880;
	[dreg:$0x11] =	wrdreg s9  }
0xd: {  	s29 =	simm.s32 $0x17080;
	s30 =	simm.s32 $0x17880;
	[dreg:$0x12] =	wrdreg s10  }
0xe: {  	s31 =	simm.s32 $0x1;
	s7 =	sor.u32 s5, s15;
	[dreg:$0x13] =	wrdreg s11  }
0xf: {  	s6 =	sand.u32 $0x300, s6;
	s15 =	simm.s32 $0x8880;
	[dreg:$0x14] =	wrdreg s12  }
0x10: {  	s8 =	sshll.u32 s7, $0x4;
	s17 =	smul.u32 $0x18000, s7;
	[dreg:$0x15] =	wrdreg s13  }
0x11: {  	s1 =	sadd.s32 s6, s1;
	s18 =	smul.u32 $0x3000, s7;
	[dreg:$0x16] =	wrdreg s14  }
0x12: {  	s6 =	simm.s32 $0x4080;
	s7 =	simm.s32 $0x4880;
	[dreg:$0x17] =	wrdreg s15  }
0x13: {  	s22 =	simm.s32 $0xB080;
	s23 =	simm.s32 $0xB880;
	[dreg:$0xe] =	wrdreg s6  }
0x14: {  	s24 =	simm.s32 $0xC880;
	s25 =	simm.s32 $0xD080;
	[dreg:$0xf] =	wrdreg s7  }
0x15: {  	s26 =	simm.s32 $0xD880;
	s9 =	simm.s32 $0xC080;
	[dreg:$0x1c] =	wrdreg s22  }
0x16: {  	s11 =	simm.s32 $0xE880;
	s12 =	simm.s32 $0xF080;
	[dreg:$0x1d] =	wrdreg s23  }
0x17: {  	s13 =	simm.s32 $0xF880;
	s14 =	simm.s32 $0x10080;
	[dreg:$0x1e] =	wrdreg s24  }
0x18: {  	s15 =	simm.s32 $0x10880;
	s16 =	sand.u32 $0x70, s8;
	[dreg:$0x1f] =	wrdreg s25  }
0x19: {  	s8 =	simm.s32 $0x5080;
	s7 =	simm.s32 $0x3;
	[smem:$0x7FD] =	sst s26  }
0x1a: {  	s22 =	simm.s32 $0x14080;
	s23 =	simm.s32 $0x14880;
	s24 =	simm.s32 $0x15080  }
0x1b: {  	s25 =	simm.s32 $0x15880;
	s26 =	simm.s32 $0x16080;
	s1 =	sadd.s32 s16, s1  }
0x1c: {  	s19 =	sshrl.u32 s17, $0x3;
	s20 =	sadd.s32 s4, s18;
	[dreg:$0x10] =	wrdreg s8  }
0x1d: {  	s16 =	simm.s32 $0x9080;
	s17 =	ssub.s32 $0x2, s5;
	s18 =	simm.s32 $0x9880  }
0x1e: {  	s8 =	simm.s32 $0x80;
	s1 =	sadd.s32 $0x1400, s1;
	[dreg:$0x5] =	wrdreg s20  }
0x1f: {  	s4 =	sadd.s32 s4, s19;
	[dreg:$0x18] =	wrdreg s16;
	s5 =	sshrl.u32 s17, $0x1  }
0x20: {  	[dreg:$0x19] =	wrdreg s18;
	s19 =	simm.s32 $0xA080;
	s16 =	simm.s32 $0x11080  }
0x21: {  	s18 =	simm.s32 $0x12080;
	[dreg:$0x4] =	wrdreg s1;
	s21 =	sadd.s32 $0x1800, s4  }
0x22: {  	s4 =	simm.s32 $0x3880;
	s20 =	ssub.s32 s17, s5;
	[dreg:$0x1a] =	wrdreg s19  }
0x23: {  	s5 =	sadd.s32 $0x200, s2;
	s17 =	simm.s32 $0x11880;
	[dreg:$0x6] =	wrdreg s21  }
0x24: {  	v2 =	vlaneseq.u32;
	s19 =	simm.s32 $0x12880;
	s1 =	simm.s32 $0x2;
	[dreg:$0xd] =	wrdreg s4  }
0x25: {  	vm0 =	vmmov $0xffff;
	v1 =	vshrl.u32 v2, $0x3;
	s21 =	simm.s32 $0xA880;
	s4 =	sadd.s32 $0x100, s2;
	s6 =	smax.u32 s20, $0x1  }
0x26: {  	v0 =	vand.u32 $0x7, v2;
	v2 =	vor.u32 $0x8, v2;
	v1 =	vmul.u32 $0x8, v1;
	s20 =	simm.s32 $0x13080;
	[dreg:$0x1b] =	wrdreg s21;
	s21 =	simm.s32 $0x13880  }
.LBB2_1:
0x27: {  	s0 =	rddreg [dreg:$0x4]  }
0x28: {  	[tilespmem:s3], [sflag:$0x3] =	stream.linear.gather [hbm4b:s0+s3], $0x80, $0x38;
	[tilespmem:$0x18080] =	vst v63  }
0x29: {  	_ =	swait.ge [sflag:s7], $0x80  }
0x2a: {  	[sflag:s7] =	ssyncset.done $0x0  }
0x2b: {  	[sflag:s7] =	ssyncadd.s32 $0xFFFFFF80  }
0x2c: {  	v3 =	vld [tilespmem:$0x0];
	_ =	sdelay $0x4  }
0x2d: {  	v4 =	vshrl.u32 v3, $0x3  }
0x2e: {  	v4 =	vmul.u32 $0x30, v4  }
0x2f: {  	v3 =	vand.u32 $0x7, v3  }
0x30: {  	v3 =	vor.u32 v3, v4  }
0x31: {  	v4 =	vperm.xlane v3, v0;
	_ =	sdelay $0x1  }
0x32: {  	v4 =	vadd.s32 v1, v4;
	_ =	sdelay $0x3  }
0x33: {  	v3 =	vperm.xlane v3, v2  }
0x34: {  	[tilespmem:s8], [sflag:$0x1] =	stream.indirect_vreg.gather [hbm4b:s2+s3], $0x80, v4, vm0, $0xb8;
	[tilespmem:$0x18080] =	vst v63  }
0x35: {  	s0 =	rddreg [dreg:$0x7];
	v3 =	vadd.s32 v1, v3  }
0x36: {  	[tilespmem:s0], [sflag:$0x1] =	stream.indirect_vreg.gather [hbm4b:s4+s3], $0x80, v4, vm0, $0xb8;
	[tilespmem:$0x18080] =	vst v63  }
0x37: {  	s10 =	rddreg [dreg:$0x8]  }
0x38: {  	[tilespmem:s10], [sflag:$0x1] =	stream.indirect_vreg.gather [hbm4b:s5+s3], $0x80, v4, vm0, $0xb8;
	[tilespmem:$0x18080] =	vst v63  }
0x39: {  	s0 =	rddreg [dreg:$0x9]  }
0x3a: {  	[tilespmem:s0], [sflag:$0x1] =	stream.indirect_vreg.gather [hbm4b:s2+s3], $0x80, v3, vm0, $0xb8;
	[tilespmem:$0x18080] =	vst v63  }
0x3b: {  	s10 =	rddreg [dreg:$0xa]  }
0x3c: {  	[tilespmem:s10], [sflag:$0x1] =	stream.indirect_vreg.gather [hbm4b:s4+s3], $0x80, v3, vm0, $0xb8;
	[tilespmem:$0x18080] =	vst v63  }
0x3d: {  	s0 =	rddreg [dreg:$0xb]  }
0x3e: {  	[tilespmem:s0], [sflag:$0x1] =	stream.indirect_vreg.gather [hbm4b:s5+s3], $0x80, v3, vm0, $0xb8;
	[tilespmem:$0x18080] =	vst v63  }
0x3f: {  	v3 =	vld [tilespmem:$0x10];
	_ =	sdelay $0x4  }
0x40: {  	v57 =	vshrl.u32 v3, $0x3  }
0x41: {  	v4 =	vmul.u32 $0x30, v57  }
0x42: {  	v3 =	vand.u32 $0x7, v3  }
0x43: {  	v3 =	vor.u32 v3, v4  }
0x44: {  	v4 =	vperm.xlane v3, v0;
	_ =	sdelay $0x1  }
0x45: {  	v4 =	vadd.s32 v1, v4;
	_ =	sdelay $0x3  }
0x46: {  	s0 =	rddreg [dreg:$0xc];
	v3 =	vperm.xlane v3, v2  }
0x47: {  	[tilespmem:s0], [sflag:$0x1] =	stream.indirect_vreg.gather [hbm4b:s2+s3], $0x80, v4, vm0, $0xb8;
	[tilespmem:$0x18080] =	vst v63  }
0x48: {  	s10 =	rddreg [dreg:$0xd];
	v3 =	vadd.s32 v1, v3  }
0x49: {  	[tilespmem:s10], [sflag:$0x1] =	stream.indirect_vreg.gather [hbm4b:s4+s3], $0x80, v4, vm0, $0xb8;
	[tilespmem:$0x18080] =	vst v63  }
0x4a: {  	s0 =	rddreg [dreg:$0xe]  }
0x4b: {  	[tilespmem:s0], [sflag:$0x1] =	stream.indirect_vreg.gather [hbm4b:s5+s3], $0x80, v4, vm0, $0xb8;
	[tilespmem:$0x18080] =	vst v63  }
0x4c: {  	s10 =	rddreg [dreg:$0xf]  }
0x4d: {  	[tilespmem:s10], [sflag:$0x1] =	stream.indirect_vreg.gather [hbm4b:s2+s3], $0x80, v3, vm0, $0xb8;
	[tilespmem:$0x18080] =	vst v63  }
0x4e: {  	s0 =	rddreg [dreg:$0x10]  }
0x4f: {  	[tilespmem:s0], [sflag:$0x1] =	stream.indirect_vreg.gather [hbm4b:s4+s3], $0x80, v3, vm0, $0xb8;
	[tilespmem:$0x18080] =	vst v63  }
0x50: {  	s10 =	rddreg [dreg:$0x11]  }
0x51: {  	[tilespmem:s10], [sflag:$0x1] =	stream.indirect_vreg.gather [hbm4b:s5+s3], $0x80, v3, vm0, $0xb8;
	[tilespmem:$0x18080] =	vst v63  }
0x52: {  	v3 =	vld [tilespmem:$0x20];
	_ =	sdelay $0x4  }
0x53: {  	v58 =	vshrl.u32 v3, $0x3  }
0x54: {  	v4 =	vmul.u32 $0x30, v58  }
0x55: {  	v3 =	vand.u32 $0x7, v3  }
0x56: {  	v3 =	vor.u32 v3, v4  }
0x57: {  	v4 =	vperm.xlane v3, v0;
	_ =	sdelay $0x1  }
0x58: {  	v4 =	vadd.s32 v1, v4;
	_ =	sdelay $0x3  }
0x59: {  	s0 =	rddreg [dreg:$0x12];
	v3 =	vperm.xlane v3, v2  }
0x5a: {  	[tilespmem:s0], [sflag:$0x1] =	stream.indirect_vreg.gather [hbm4b:s2+s3], $0x80, v4, vm0, $0xb8;
	[tilespmem:$0x18080] =	vst v63  }
0x5b: {  	s10 =	rddreg [dreg:$0x13];
	v3 =	vadd.s32 v1, v3  }
0x5c: {  	[tilespmem:s10], [sflag:$0x1] =	stream.indirect_vreg.gather [hbm4b:s4+s3], $0x80, v4, vm0, $0xb8;
	[tilespmem:$0x18080] =	vst v63  }
0x5d: {  	s0 =	rddreg [dreg:$0x14]  }
0x5e: {  	[tilespmem:s0], [sflag:$0x1] =	stream.indirect_vreg.gather [hbm4b:s5+s3], $0x80, v4, vm0, $0xb8;
	[tilespmem:$0x18080] =	vst v63  }
0x5f: {  	s10 =	rddreg [dreg:$0x15]  }
0x60: {  	[tilespmem:s10], [sflag:$0x1] =	stream.indirect_vreg.gather [hbm4b:s2+s3], $0x80, v3, vm0, $0xb8;
	[tilespmem:$0x18080] =	vst v63  }
0x61: {  	s0 =	rddreg [dreg:$0x16]  }
0x62: {  	[tilespmem:s0], [sflag:$0x1] =	stream.indirect_vreg.gather [hbm4b:s4+s3], $0x80, v3, vm0, $0xb8;
	[tilespmem:$0x18080] =	vst v63  }
0x63: {  	s10 =	rddreg [dreg:$0x17]  }
0x64: {  	[tilespmem:s10], [sflag:$0x1] =	stream.indirect_vreg.gather [hbm4b:s5+s3], $0x80, v3, vm0, $0xb8;
	[tilespmem:$0x18080] =	vst v63  }
0x65: {  	v3 =	vld [tilespmem:$0x30];
	_ =	sdelay $0x4  }
0x66: {  	v59 =	vshrl.u32 v3, $0x3  }
0x67: {  	v4 =	vmul.u32 $0x30, v59  }
0x68: {  	v3 =	vand.u32 $0x7, v3  }
0x69: {  	v3 =	vor.u32 v3, v4  }
0x6a: {  	v4 =	vperm.xlane v3, v0;
	_ =	sdelay $0x1  }
0x6b: {  	v4 =	vadd.s32 v1, v4;
	_ =	sdelay $0x3  }
0x6c: {  	s0 =	rddreg [dreg:$0x18];
	v3 =	vperm.xlane v3, v2  }
0x6d: {  	[tilespmem:s0], [sflag:$0x1] =	stream.indirect_vreg.gather [hbm4b:s2+s3], $0x80, v4, vm0, $0xb8;
	[tilespmem:$0x18080] =	vst v63  }
0x6e: {  	s10 =	rddreg [dreg:$0x19];
	v3 =	vadd.s32 v1, v3  }
0x6f: {  	[tilespmem:s10], [sflag:$0x1] =	stream.indirect_vreg.gather [hbm4b:s4+s3], $0x80, v4, vm0, $0xb8;
	[tilespmem:$0x18080] =	vst v63  }
0x70: {  	s0 =	rddreg [dreg:$0x1a]  }
0x71: {  	[tilespmem:s0], [sflag:$0x1] =	stream.indirect_vreg.gather [hbm4b:s5+s3], $0x80, v4, vm0, $0xb8;
	[tilespmem:$0x18080] =	vst v63  }
0x72: {  	s10 =	rddreg [dreg:$0x1b]  }
0x73: {  	[tilespmem:s10], [sflag:$0x1] =	stream.indirect_vreg.gather [hbm4b:s2+s3], $0x80, v3, vm0, $0xb8;
	[tilespmem:$0x18080] =	vst v63  }
0x74: {  	s0 =	rddreg [dreg:$0x1c]  }
0x75: {  	[tilespmem:s0], [sflag:$0x1] =	stream.indirect_vreg.gather [hbm4b:s4+s3], $0x80, v3, vm0, $0xb8;
	[tilespmem:$0x18080] =	vst v63  }
0x76: {  	s10 =	rddreg [dreg:$0x1d]  }
0x77: {  	[tilespmem:s10], [sflag:$0x1] =	stream.indirect_vreg.gather [hbm4b:s5+s3], $0x80, v3, vm0, $0xb8;
	[tilespmem:$0x18080] =	vst v63  }
0x78: {  	v3 =	vld [tilespmem:$0x40];
	_ =	sdelay $0x4  }
0x79: {  	v60 =	vshrl.u32 v3, $0x3  }
0x7a: {  	v4 =	vmul.u32 $0x30, v60  }
0x7b: {  	v3 =	vand.u32 $0x7, v3  }
0x7c: {  	v3 =	vor.u32 v3, v4  }
0x7d: {  	v4 =	vperm.xlane v3, v0;
	_ =	sdelay $0x1  }
0x7e: {  	v4 =	vadd.s32 v1, v4;
	_ =	sdelay $0x3  }
0x7f: {  	s0 =	rddreg [dreg:$0x1e];
	v3 =	vperm.xlane v3, v2  }
0x80: {  	[tilespmem:s9], [sflag:$0x2] =	stream.indirect_vreg.gather [hbm4b:s2+s3], $0x80, v4, vm0, $0xb8;
	[tilespmem:$0x18080] =	vst v63  }
0x81: {  	s10 =	rddreg [dreg:$0x1f];
	v3 =	vadd.s32 v1, v3  }
0x82: {  	[tilespmem:s0], [sflag:$0x2] =	stream.indirect_vreg.gather [hbm4b:s4+s3], $0x80, v4, vm0, $0xb8;
	[tilespmem:$0x18080] =	vst v63  }
0x83: {  	s0 =	sld [smem:$0x7FD]  }
0x84: {  	[tilespmem:s10], [sflag:$0x2] =	stream.indirect_vreg.gather [hbm4b:s5+s3], $0x80, v4, vm0, $0xb8;
	[tilespmem:$0x18080] =	vst v63  }
0x85: {  	_ = 	snop  }
0x86: {  	[tilespmem:s0], [sflag:$0x2] =	stream.indirect_vreg.gather [hbm4b:s2+s3], $0x80, v3, vm0, $0xb8;
	[tilespmem:$0x18080] =	vst v63  }
0x87: {  	s10 =	simm.s32 $0xE080  }
0x88: {  	[tilespmem:s10], [sflag:$0x2] =	stream.indirect_vreg.gather [hbm4b:s4+s3], $0x80, v3, vm0, $0xb8;
	[tilespmem:$0x18080] =	vst v63  }
0x89: {  	_ = 	snop  }
0x8a: {  	[tilespmem:s11], [sflag:$0x2] =	stream.indirect_vreg.gather [hbm4b:s5+s3], $0x80, v3, vm0, $0xb8;
	[tilespmem:$0x18080] =	vst v63  }
0x8b: {  	v3 =	vld [tilespmem:$0x50];
	_ =	sdelay $0x4  }
0x8c: {  	v61 =	vshrl.u32 v3, $0x3  }
0x8d: {  	v4 =	vmul.u32 $0x30, v61  }
0x8e: {  	v3 =	vand.u32 $0x7, v3  }
0x8f: {  	v3 =	vor.u32 v3, v4  }
0x90: {  	v4 =	vperm.xlane v3, v0;
	_ =	sdelay $0x1  }
0x91: {  	v4 =	vadd.s32 v1, v4;
	_ =	sdelay $0x3  }
0x92: {  	v3 =	vperm.xlane v3, v2  }
0x93: {  	[tilespmem:s12], [sflag:$0x2] =	stream.indirect_vreg.gather [hbm4b:s2+s3], $0x80, v4, vm0, $0xb8;
	[tilespmem:$0x18080] =	vst v63  }
0x94: {  	v3 =	vadd.s32 v1, v3  }
0x95: {  	[tilespmem:s13], [sflag:$0x2] =	stream.indirect_vreg.gather [hbm4b:s4+s3], $0x80, v4, vm0, $0xb8;
	[tilespmem:$0x18080] =	vst v63  }
0x96: {  	_ = 	snop  }
0x97: {  	[tilespmem:s14], [sflag:$0x2] =	stream.indirect_vreg.gather [hbm4b:s5+s3], $0x80, v4, vm0, $0xb8;
	[tilespmem:$0x18080] =	vst v63  }
0x98: {  	_ = 	snop  }
0x99: {  	[tilespmem:s15], [sflag:$0x2] =	stream.indirect_vreg.gather [hbm4b:s2+s3], $0x80, v3, vm0, $0xb8;
	[tilespmem:$0x18080] =	vst v63  }
0x9a: {  	_ = 	snop  }
0x9b: {  	[tilespmem:s16], [sflag:$0x2] =	stream.indirect_vreg.gather [hbm4b:s4+s3], $0x80, v3, vm0, $0xb8;
	[tilespmem:$0x18080] =	vst v63  }
0x9c: {  	_ = 	snop  }
0x9d: {  	[tilespmem:s17], [sflag:$0x2] =	stream.indirect_vreg.gather [hbm4b:s5+s3], $0x80, v3, vm0, $0xb8;
	[tilespmem:$0x18080] =	vst v63  }
0x9e: {  	v3 =	vld [tilespmem:$0x60];
	_ =	sdelay $0x4  }
0x9f: {  	v62 =	vshrl.u32 v3, $0x3  }
0xa0: {  	v4 =	vmul.u32 $0x30, v62  }
0xa1: {  	v3 =	vand.u32 $0x7, v3  }
0xa2: {  	v3 =	vor.u32 v3, v4  }
0xa3: {  	v4 =	vperm.xlane v3, v0;
	_ =	sdelay $0x1  }
0xa4: {  	v4 =	vadd.s32 v1, v4;
	_ =	sdelay $0x3  }
0xa5: {  	v3 =	vperm.xlane v3, v2  }
0xa6: {  	[tilespmem:s18], [sflag:$0x2] =	stream.indirect_vreg.gather [hbm4b:s2+s3], $0x80, v4, vm0, $0xb8;
	[tilespmem:$0x18080] =	vst v63  }
0xa7: {  	v3 =	vadd.s32 v1, v3  }
0xa8: {  	[tilespmem:s19], [sflag:$0x2] =	stream.indirect_vreg.gather [hbm4b:s4+s3], $0x80, v4, vm0, $0xb8;
	[tilespmem:$0x18080] =	vst v63  }
0xa9: {  	_ = 	snop  }
0xaa: {  	[tilespmem:s20], [sflag:$0x2] =	stream.indirect_vreg.gather [hbm4b:s5+s3], $0x80, v4, vm0, $0xb8;
	[tilespmem:$0x18080] =	vst v63  }
0xab: {  	_ = 	snop  }
0xac: {  	[tilespmem:s21], [sflag:$0x2] =	stream.indirect_vreg.gather [hbm4b:s2+s3], $0x80, v3, vm0, $0xb8;
	[tilespmem:$0x18080] =	vst v63  }
0xad: {  	_ = 	snop  }
0xae: {  	[tilespmem:s22], [sflag:$0x2] =	stream.indirect_vreg.gather [hbm4b:s4+s3], $0x80, v3, vm0, $0xb8;
	[tilespmem:$0x18080] =	vst v63  }
0xaf: {  	_ = 	snop  }
0xb0: {  	[tilespmem:s23], [sflag:$0x2] =	stream.indirect_vreg.gather [hbm4b:s5+s3], $0x80, v3, vm0, $0xb8;
	[tilespmem:$0x18080] =	vst v63  }
0xb1: {  	v3 =	vld [tilespmem:$0x70];
	_ =	sdelay $0x4  }
0xb2: {  	v63 =	vshrl.u32 v3, $0x3  }
0xb3: {  	v4 =	vmul.u32 $0x30, v63  }
0xb4: {  	v3 =	vand.u32 $0x7, v3  }
0xb5: {  	v3 =	vor.u32 v3, v4  }
0xb6: {  	v4 =	vperm.xlane v3, v0;
	_ =	sdelay $0x1  }
0xb7: {  	v4 =	vadd.s32 v1, v4;
	_ =	sdelay $0x3  }
0xb8: {  	v3 =	vperm.xlane v3, v2  }
0xb9: {  	[tilespmem:s24], [sflag:$0x2] =	stream.indirect_vreg.gather [hbm4b:s2+s3], $0x80, v4, vm0, $0xb8;
	[tilespmem:$0x18080] =	vst v63  }
0xba: {  	v3 =	vadd.s32 v1, v3  }
0xbb: {  	[tilespmem:s25], [sflag:$0x2] =	stream.indirect_vreg.gather [hbm4b:s4+s3], $0x80, v4, vm0, $0xb8;
	[tilespmem:$0x18080] =	vst v63  }
0xbc: {  	_ = 	snop  }
0xbd: {  	[tilespmem:s26], [sflag:$0x2] =	stream.indirect_vreg.gather [hbm4b:s5+s3], $0x80, v4, vm0, $0xb8;
	[tilespmem:$0x18080] =	vst v63  }
0xbe: {  	_ = 	snop  }
0xbf: {  	[tilespmem:s28], [sflag:$0x2] =	stream.indirect_vreg.gather [hbm4b:s2+s3], $0x80, v3, vm0, $0xb8;
	[tilespmem:$0x18080] =	vst v63  }
0xc0: {  	_ = 	snop  }
0xc1: {  	[tilespmem:s29], [sflag:$0x2] =	stream.indirect_vreg.gather [hbm4b:s4+s3], $0x80, v3, vm0, $0xb8;
	[tilespmem:$0x18080] =	vst v63  }
0xc2: {  	_ = 	snop  }
0xc3: {  	[tilespmem:s30], [sflag:$0x2] =	stream.indirect_vreg.gather [hbm4b:s5+s3], $0x80, v3, vm0, $0xb8;
	[tilespmem:$0x18080] =	vst v63  }
0xc4: {  	_ =	swait.ge [sflag:s31], $0xC000  }
0xc5: {  	[sflag:s31] =	ssyncset.done $0x0  }
0xc6: {  	s10 =	rddreg [dreg:$0x5];
	[sflag:s31] =	ssyncadd.s32 $0xFFFF4000  }
0xc7: {  	[hbm4b:s10+s3] =	stream.linear.scatter [tilespmem:s8], [sflag:$0x3], $0xC000, $0x38;
	[tilespmem:$0x18080] =	vst v63  }
0xc8: {  	_ =	swait.ge [sflag:s7], $0xC000  }
0xc9: {  	[sflag:s7] =	ssyncset.done $0x0  }
0xca: {  	[sflag:s7] =	ssyncadd.s32 $0xFFFF4000  }
0xcb: {  	_ =	swait.ge [sflag:s1], $0xC000  }
0xcc: {  	p0 =	sne.s32 s6, $0x1;
	[sflag:s1] =	ssyncset.done $0x0  }
.Ltmp0:
0xcd: {  	s10 =	rddreg [dreg:$0x6];
	[sflag:s1] =	ssyncadd.s32 $0xFFFF4000;
	(pc) =	sbr.rel @p0 .LBB2_1-.Ltmp0, $4  }
0xce: {  	[hbm4b:s10+s3] =	stream.linear.scatter [tilespmem:s9], [sflag:$0x3], $0xC000, $0x38;
	[tilespmem:$0x18080] =	vst v63  }
0xcf: {  	_ =	swait.ge [sflag:s7], $0xC000  }
0xd0: {  	[sflag:s7] =	ssyncset.done $0x0  }
0xd1: {  	s6 =	sadd.s32 $0xFFFFFFFF, s6;
	[sflag:s7] =	ssyncadd.s32 $0xFFFF4000  }
0xd2: {  	_ =	sfence.sel $0x180000  }
0xd3: {  	[bflag:$0x0] =	sbarrier.arrive $0xFFFF  }
0xd4: {  	_ =	strace $0x90000047  }
0xd5: {  	s0 =	stileid.u32;
	[bflag:$0x2] =	sbarrier.arrive $0xFFFF  }
0xd6: {  	p0 =	sne.s32 s0, $0x0;
	s0 =	rddreg [dreg:$0x3]  }
0xd7: {  	s0 =	sadd.s32 @!p0 $0x100000, s0  }
0xd8: {  	[sflag:s0] =	ssyncadd.tile.s32 @!p0 $0x1;
	_ =	shalt  }
.Lfunc_end2:
_tile_overlayer_lowered:
.L_overlay_start_2:
0xd9: {  	(tag) =	ssettag $0x2  }
0xda: {  	s0 =	rddreg [dreg:$0x0];
	s2 =	stileid.u32  }
0xdb: {  	s1 =	rddreg [dreg:$0x1];
	p0 =	sne.s32 s2, $0x0  }
0xdc: {  	s3 =	rddreg [dreg:$0x2];
	[bflag:$0x3] =	sbarrier.arrive $0xFFFF;
	s2 =	simm.s32 @!p0 $0x1C03  }
0xdd: {  	[timem:s3], [sflag:s2] =	dma.local @!p0 [hbm:s0], s1  }
0xde: {  	s0 =	simm.s32 @!p0 $0x3  }
0xdf: {  	_ =	swait.ge @!p0 [sflag:s0], s1  }
0xe0: {  	s1 =	ssub.s32 @!p0 $0x0, s1;
	[sflag:s0] =	ssyncset.done @!p0 $0x0  }
0xe1: {  	[sflag:s0] =	ssyncadd.s32 @!p0 s1  }
0xe2: {  	[bflag:$0x3] =	sbarrier.arrive $0xFFFF  }
0xe3: {  	_ =	shalt  }

// kernel: _bert_embed.9.cloned.1.call-start
scs
__scs_entry_jumppad:
0x0: {  	(pc) =	sbr.rel $0x88, $3  }
0x1: {  	(tag) =	ssettag $0x0;
	lr =	simm.s32 $0x1  }
0x2: {  	[smem:$0x3F9B] =	sst lr;
	_ =	strace $0xD0000000  }
0x3: {  	_ = 	snop  }
0x4: {  	_ = 	snop  }
0x5: {  	_ = 	snop  }
0x6: {  	_ = 	snop  }
0x7: {  	_ = 	snop  }
__scs_overlays_trampoline_lowered:
0x8: {  	[smem:$0x3FAA] =	sst s0  }
0x9: {  	[smem:$0x3FAB] =	sst s1  }
0xa: {  	[smem:$0x3FAC] =	sst s2  }
0xb: {  	[smem:$0x3FAD] =	sst s3  }
0xc: {  	[smem:$0x3FAE] =	sst s4  }
0xd: {  	[smem:$0x3FAF] =	sst s5  }
0xe: {  	[smem:$0x3FB0] =	sst s6  }
0xf: {  	[smem:$0x3FB1] =	sst s7  }
0x10: {  	[smem:$0x3FB2] =	sst s8  }
0x11: {  	[smem:$0x3FB3] =	sst s9;
	s0 =	simm.s32 @!p0 $0x0  }
0x12: {  	s1 =	sld [smem:$0x3F99];
	s0 =	simm.s32 @p0 $0x1  }
0x13: {  	[smem:$0x3FB4] =	sst s0;
	s0 =	simm.s32 @!p1 $0x0  }
0x14: {  	s2 =	sld [smem:$0x3F98];
	s0 =	simm.s32 @p1 $0x1  }
0x15: {  	[smem:$0x3FB5] =	sst s0;
	s0 =	simm.s32 @!p2 $0x0  }
0x16: {  	s3 =	sld [smem:$0x3FDB];
	s0 =	simm.s32 @p2 $0x1  }
0x17: {  	s4 =	simm.s32 $0x1BF5;
	[smem:$0x3FB7] =	sst s0  }
0x18: {  	s0 =	sld [smem:$0x3F9A];
	_ =	swait.ge [sflag:s4], $0x0  }
0x19: {  	s7 =	sld [smem:$0x3F9B]  }
0x1a: {  	s8 =	sadd.s32 $0xFFFFE003, lr  }
0x1b: {  	s9 =	sadd.s32 $0xFFFFFEF7, lr;
	s5 =	simm.s32 $0xFFFFFFFF;
	p2 =	slt.u32 s8, $0xFFFFF086  }
0x1c: {  	p1 =	slt.u32 s9, $0xF7A;
	s5 =	simm.s32 @!p2 $0x0  }
0x1d: {  	s5 =	simm.s32 @p1 $0x1;
	p0 =	seq.s32 s7, s2  }
0x1e: {  	s7 =	smul.u32 @!p0 $0xF7A, s2;
	p2 =	seq.s32 @!p0 s5, $0x0  }
0x1f: {  	s9 =	smul.u32 $0xF7A, s1;
	s8 =	simm.s32 @!p0 $0x1BF5;
	p2 =	por !p2, p0  }
0x20: {  	[sflag:s8] =	ssyncset.s32 @!p0 $0xFFFFF086;
	s6 =	sadd.s32 @!p0 s3, s7;
	s7 =	simm.s32 @!p0 $0x108  }
0x21: {  	s3 =	sadd.s32 s3, s9;
	s6 =	sadd.s32 @!p0 $0x88, s6;
	s7 =	simm.s32 @p2 $0x1082  }
0x22: {  	[simem:s7], [sflag:s8] =	dma.local @!p0 [hbm:s6], $0xF7A  }
0x23: {  	s9 =	sor.u32 $0xD0000000, s2;
	s6 =	simm.s32 $0x108;
	_ =	swait.ge @!p0 [sflag:s8], $0x0  }
0x24: {  	s3 =	sadd.s32 $0x88, s3;
	s6 =	simm.s32 @!p1 $0x1082;
	[sflag:s4] =	ssyncset.s32 $0xFFFFF086  }
0x25: {  	[simem:s6], [sflag:s4] =	dma.local [hbm:s3], $0xF7A  }
0x26: {  	[smem:$0x3F9B] =	sst s1;
	(tag) =	ssettag s2;
	_ =	strace s9  }
0x27: {  	s1 =	sld [smem:$0x3FAB]  }
0x28: {  	s2 =	sld [smem:$0x3FAC]  }
0x29: {  	s4 =	sld [smem:$0x3FAE]  }
0x2a: {  	p0 =	seq.s32 s5, $0x0;
	s5 =	sld [smem:$0x3FAF]  }
0x2b: {  	s6 =	sld [smem:$0x3FB0]  }
0x2c: {  	s7 =	sld [smem:$0x3FB1]  }
0x2d: {  	s3 =	simm.s32 $0x108;
	s8 =	sld [smem:$0x3FB2]  }
0x2e: {  	s3 =	simm.s32 @!p0 $0x1082;
	s9 =	sld [smem:$0x3FB3]  }
0x2f: {  	lr =	sadd.s32 s0, s3;
	s0 =	sld [smem:$0x3FAA]  }
0x30: {  	s3 =	sld [smem:$0x3FAD]  }
0x31: {  	[smem:$0x3FB6] =	sst s10  }
0x32: {  	s10 =	sld [smem:$0x3FB4];
	_ =	sdelay $0x3  }
0x33: {  	p0 =	seq.s32 s10, $0x1;
	s10 =	sld [smem:$0x3FB6];
	_ =	sdelay $0x3  }
0x34: {  	[smem:$0x3FB6] =	sst s10  }
0x35: {  	s10 =	sld [smem:$0x3FB5];
	_ =	sdelay $0x3  }
0x36: {  	p1 =	seq.s32 s10, $0x1;
	s10 =	sld [smem:$0x3FB6];
	_ =	sdelay $0x3  }
0x37: {  	[smem:$0x3FB6] =	sst s10  }
0x38: {  	s10 =	sld [smem:$0x3FB7]  }
0x39: {  	_ = 	snop;
	(pc) =	sbr.ind lr, $3  }
0x3a: {  	_ = 	snop  }
0x3b: {  	_ = 	snop  }
0x3c: {  	p2 =	seq.s32 s10, $0x1;
	s10 =	sld [smem:$0x3FB6]  }
0x3d: {  	_ =	shalt  }
0x3e: {  	_ =	shalt  }
0x3f: {  	_ =	shalt  }
0x40: {  	_ =	shalt  }
0x41: {  	_ =	shalt  }
0x42: {  	_ =	shalt  }
0x43: {  	_ =	shalt  }
0x44: {  	_ =	shalt  }
0x45: {  	_ =	shalt  }
0x46: {  	_ =	shalt  }
0x47: {  	_ =	shalt  }
0x48: {  	_ =	shalt  }
0x49: {  	_ =	shalt  }
0x4a: {  	_ =	shalt  }
0x4b: {  	_ =	shalt  }
0x4c: {  	_ =	shalt  }
0x4d: {  	_ =	shalt  }
0x4e: {  	_ =	shalt  }
0x4f: {  	_ =	shalt  }
0x50: {  	_ =	shalt  }
0x51: {  	_ =	shalt  }
0x52: {  	_ =	shalt  }
0x53: {  	_ =	shalt  }
0x54: {  	_ =	shalt  }
0x55: {  	_ =	shalt  }
0x56: {  	_ =	shalt  }
0x57: {  	_ =	shalt  }
0x58: {  	_ =	shalt  }
0x59: {  	_ =	shalt  }
0x5a: {  	_ =	shalt  }
0x5b: {  	_ =	shalt  }
0x5c: {  	_ =	shalt  }
0x5d: {  	_ =	shalt  }
0x5e: {  	_ =	shalt  }
0x5f: {  	_ =	shalt  }
0x60: {  	_ =	shalt  }
0x61: {  	_ =	shalt  }
0x62: {  	_ =	shalt  }
0x63: {  	_ =	shalt  }
0x64: {  	_ =	shalt  }
0x65: {  	_ =	shalt  }
0x66: {  	_ =	shalt  }
0x67: {  	_ =	shalt  }
0x68: {  	_ =	shalt  }
0x69: {  	_ =	shalt  }
0x6a: {  	_ =	shalt  }
0x6b: {  	_ =	shalt  }
0x6c: {  	_ =	shalt  }
0x6d: {  	_ =	shalt  }
0x6e: {  	_ =	shalt  }
0x6f: {  	_ =	shalt  }
0x70: {  	_ =	shalt  }
0x71: {  	_ =	shalt  }
0x72: {  	_ =	shalt  }
0x73: {  	_ =	shalt  }
0x74: {  	_ =	shalt  }
0x75: {  	_ =	shalt  }
0x76: {  	_ =	shalt  }
0x77: {  	_ =	shalt  }
0x78: {  	_ =	shalt  }
0x79: {  	_ =	shalt  }
0x7a: {  	_ =	shalt  }
0x7b: {  	_ =	shalt  }
0x7c: {  	_ =	shalt  }
0x7d: {  	_ =	shalt  }
0x7e: {  	_ =	shalt  }
0x7f: {  	_ =	shalt  }
0x80: {  	_ =	shalt  }
0x81: {  	_ =	shalt  }
0x82: {  	_ =	shalt  }
0x83: {  	_ =	shalt  }
0x84: {  	_ =	shalt  }
0x85: {  	_ =	shalt  }
0x86: {  	_ =	shalt  }
0x87: {  	_ =	shalt  }
.Lfunc_end0:
.L_simem_size_0:
called_computation.1_lowered:
.L_overlay_start_0:
0x88: {  	s2 =	sld [smem:$0x3FD9]  }
0x89: {  	s3 =	sld [smem:$0x3FFE];
	_ =	sdelay $0x1  }
0x8a: {  	s1 =	srdreg.scid  }
0x8b: {  	s0 =	sand.u32 $0x1, s1  }
0x8c: {  	s17 =	sshll.u32 s0, $0xA;
	s2 =	sadd.s32 s3, s2  }
0x8d: {  	s2 =	sadd.s32 s2, s17  }
0x8e: {  	[smem:$0x3FC2] =	sst s2  }
0x8f: {  	_ = 	snop  }
0x90: {  	s18 =	sld [smem:$0x3FC8];
	(tm) =	ssettm $0x1  }
0x91: {  	s19 =	sld [smem:$0x3FFB];
	_ =	sdelay $0x3  }
0x92: {  	_ =	strace s19  }
0x93: {  	s2 =	sld [smem:$0x3FFC];
	_ =	sdelay $0x3  }
0x94: {  	_ =	strace s2  }
0x95: {  	s2 =	sld [smem:$0x3FFD];
	_ =	sdelay $0x3  }
0x96: {  	_ =	strace s2  }
0x97: {  	_ =	strace $0x8FFFFFFF  }
0x98: {  	s20 =	sld [smem:$0x3FDB];
	_ =	sdelay $0x1  }
0x99: {  	s4 =	simm.s32 $_scs_section_size  }
0x9a: {  	s5 =	simm.s32 $_size__tile_overlayer_lowered;
	s6 =	simm.s32 $_tile_overlayer_lowered  }
0x9b: {  	s7 =	simm.s32 $0x1BFF;
	s21 =	sshll.u32 s6, $0x1;
	s4 =	sadd.s32 s4, s20  }
0x9c: {  	s22 =	simm.s32 $0x0;
	s5 =	sshll.u32 s5, $0x1;
	s6 =	sadd.s32 s21, s4  }
0x9d: {  	[timem:s22], [sflag:s7] =	dma.local [hbm:s6], s5  }
0x9e: {  	_ =	swait.ge [sflag:s7], s5  }
0x9f: {  	s5 =	ssub.s32 $0x0, s5;
	[sflag:s7] =	ssyncset.done $0x0  }
0xa0: {  	[sflag:s7] =	ssyncadd.s32 s5;
	_ =	sdelay $0x1  }
0xa1: {  	s23 =	simm.s32 $0x1B8B  }
0xa2: {  	_ =	swait.ge [sflag:s23], $0x1  }
0xa3: {  	[sflag:s23] =	ssyncset.done $0x0  }
0xa4: {  	[sflag:s23] =	ssyncadd.s32 $0xFFFFFFFF  }
0xa5: {  	s5 =	sld [smem:$0x0]  }
0xa6: {  	s6 =	sand.u32 $0xFFFFFFFE, s1  }
0xa7: {  	p0 =	sne.s32 s1, s6  }
0xa8: {  	s6 =	sshll.u32 @p0 s6, $0xE  }
0xa9: {  	s6 =	sadd.s32 @p0 $0x11B8D, s6;
	s7 =	sshll.u32 @p0 s5, $0x11  }
0xaa: {  	s6 =	sor.u32 @p0 s7, s6  }
0xab: {  	[sflag:s6] =	ssyncadd.remote.s32 @p0 $0x1;
	_ =	sdelay $0x1  }
0xac: {  	s6 =	simm.s32 @p0 $0x1B8D  }
0xad: {  	_ =	swait.eq @p0 [sflag:s6], $0x1  }
0xae: {  	[sflag:s6] =	ssyncadd.s32 @p0 $0xFFFFFFFF  }
0xaf: {  	s7 =	sshll.u32 @!p0 s1, $0xE  }
0xb0: {  	s7 =	sor.u32 @!p0 $0x4000, s7;
	s6 =	simm.s32 @!p0 $0x1B8D  }
0xb1: {  	s5 =	sshll.u32 @!p0 s5, $0x11;
	s7 =	sadd.s32 @!p0 $0x11B8D, s7;
	_ =	swait.eq @!p0 [sflag:s6], $0x1  }
0xb2: {  	s5 =	sor.u32 @!p0 s5, s7;
	[sflag:s6] =	ssyncadd.s32 @!p0 $0xFFFFFFFF  }
0xb3: {  	s25 =	simm.s32 $0x1B8E;
	s24 =	sld [smem:$0x3FFE];
	[sflag:s5] =	ssyncadd.remote.s32 @!p0 $0x1  }
0xb4: {  	s26 =	simm.s32 $execute0_lowered;
	[smem:$0x3FD2] =	sst s25  }
0xb5: {  	s6 =	sshll.u32 s26, $0x1;
	_ =	strace $0x80000049;
	[dreg:$0x1] =	wrdreg $0xFFFFFFFF  }
0xb6: {  	s28 =	simm.s32 $_size_execute0_lowered;
	s4 =	sadd.s32 s4, s6;
	[dreg:$0x0] =	wrdreg $0x0  }
0xb7: {  	s6 =	sshll.u32 s28, $0x1;
	[dreg:$0x2] =	wrdreg s4  }
0xb8: {  	[dreg:$0x3] =	wrdreg s6  }
0xb9: {  	[dreg:$0x4] =	wrdreg $0xC0  }
0xba: {  	_ =	task [dreg:s22], $0x5FFFF  }
0xbb: {  	[dreg:$0x1] =	wrdreg $0xFFFFFFFF  }
0xbc: {  	[dreg:$0x0] =	wrdreg $0x60  }
0xbd: {  	[dreg:$0x2] =	wrdreg s24  }
0xbe: {  	[dreg:$0x3] =	wrdreg s18  }
0xbf: {  	[dreg:$0x4] =	wrdreg $0xA  }
0xc0: {  	_ =	task.clear_ibuf [dreg:s22], $0x5FFFF;
	_ =	strace $0x90000049  }
0xc1: {  	s29 =	simm.s32 $0xA;
	_ =	strace $0x8000004B  }
0xc2: {  	_ =	swait.ge [sflag:s29], $0x1  }
0xc3: {  	[sflag:s29] =	ssyncadd.s32 $0xFFFFFFFF  }
0xc4: {  	_ =	strace $0x9000004B  }
0xc5: {  	_ =	sfence  }
0xc6: {  	s30 =	sld [smem:$0x0];
	_ =	sdelay $0x2  }
0xc7: {  	s31 =	sshll.u32 s1, $0xD;
	s1 =	sshrl.u32 s1, $0x2  }
0xc8: {  	s4 =	sand.u32 $0x4000, s31;
	s1 =	sadd.s32 s1, s30  }
0xc9: {  	s0 =	sor.u32 s4, s0;
	s1 =	sshll.u32 s1, $0x11  }
0xca: {  	s0 =	sor.u32 s1, s0  }
0xcb: {  	s0 =	sadd.s32 $0x8F2B, s0  }
0xcc: {  	[sflag:s0] =	ssyncadd.remote.s32 $0x1  }
0xcd: {  	_ =	sfence.sel $0xFFFF  }
0xce: {  	[dreg:$0x0] =	wrdreg $0xFFFFFFFF;
	(pc) =	sbr.abs _section_cstart, $3  }
0xcf: {  	[dreg:$0x1] =	wrdreg $0xFFFFFFFF  }
0xd0: {  	_ =	task.clear_ibuf [dreg:s22], $0x2FFFF;
	_ =	strace $0x9FFFFFFF  }
0xd1: {  	(tm) =	ssettm $0x7FFFFFFF  }
tec
execute0_lowered:
.L_overlay_start_1:
0x0: {  	(tag) =	ssettag $0x1  }
0x1: {  	s1 =	srdreg.scid;
	s0 =	stileid.u32  }
0x2: {  	s4 =	rddreg [dreg:$0x0];
	s1 =	sand.u32 $0x1, s1;
	s3 =	sshll.u32 s0, $0x1  }
0x3: {  	s2 =	rddreg [dreg:$0x1];
	s5 =	sor.u32 s1, s3;
	s3 =	simm.s32 $0x0  }
0x4: {  	s23 =	simm.s32 $0x880;
	[smem:$0x7FF] =	sst s3  }
0x5: {  	s24 =	simm.s32 $0x1080;
	_ =	strace $0x8000004A;
	[dreg:$0x6] =	wrdreg s23  }
0x6: {  	s25 =	simm.s32 $0x1880;
	[dreg:$0x7] =	wrdreg s24  }
0x7: {  	s26 =	simm.s32 $0x2080;
	[dreg:$0x8] =	wrdreg s25  }
0x8: {  	s6 =	sshll.u32 s0, $0x6;
	s0 =	simm.s32 $0x2880;
	[dreg:$0x9] =	wrdreg s26  }
0x9: {  	s8 =	simm.s32 $0x4880;
	[dreg:$0xa] =	wrdreg s0  }
0xa: {  	s9 =	simm.s32 $0x5080;
	s10 =	simm.s32 $0x5880;
	[dreg:$0xe] =	wrdreg s8  }
0xb: {  	s11 =	simm.s32 $0x6080;
	s12 =	simm.s32 $0x6880;
	[dreg:$0xf] =	wrdreg s9  }
0xc: {  	s13 =	simm.s32 $0x7080;
	s14 =	simm.s32 $0x7880;
	[dreg:$0x10] =	wrdreg s10  }
0xd: {  	s15 =	simm.s32 $0x8080;
	s16 =	simm.s32 $0x8880;
	[dreg:$0x11] =	wrdreg s11  }
0xe: {  	s17 =	simm.s32 $0x9080;
	s18 =	simm.s32 $0x9880;
	[dreg:$0x12] =	wrdreg s12  }
0xf: {  	s20 =	simm.s32 $0xA080;
	s21 =	simm.s32 $0xA880;
	[dreg:$0x13] =	wrdreg s13  }
0x10: {  	s28 =	simm.s32 $0x16880;
	s29 =	simm.s32 $0x17080;
	[dreg:$0x14] =	wrdreg s14  }
0x11: {  	s30 =	simm.s32 $0x17880;
	s31 =	simm.s32 $0x1;
	[dreg:$0x15] =	wrdreg s15  }
0x12: {  	s6 =	sand.u32 $0x300, s6;
	s1 =	ssub.s32 $0x2, s1;
	[dreg:$0x16] =	wrdreg s16  }
0x13: {  	s7 =	sshll.u32 s5, $0x4;
	s22 =	smul.u32 $0x18000, s5;
	[dreg:$0x17] =	wrdreg s17  }
0x14: {  	s5 =	smul.u32 $0x3000, s5;
	s19 =	sshrl.u32 s1, $0x1;
	[dreg:$0x18] =	wrdreg s18  }
0x15: {  	s7 =	sand.u32 $0x70, s7;
	s1 =	ssub.s32 s1, s19;
	[dreg:$0x19] =	wrdreg s20  }
0x16: {  	[dreg:$0x1a] =	wrdreg s21;
	s23 =	simm.s32 $0xB880;
	s24 =	simm.s32 $0xC880  }
0x17: {  	s25 =	simm.s32 $0xD080;
	s8 =	simm.s32 $0x80;
	s26 =	simm.s32 $0xD880  }
0x18: {  	s9 =	simm.s32 $0xC080;
	s11 =	simm.s32 $0xE880;
	s12 =	simm.s32 $0xF080  }
0x19: {  	s13 =	simm.s32 $0xF880;
	s14 =	simm.s32 $0x10080;
	s15 =	simm.s32 $0x10880  }
0x1a: {  	s16 =	simm.s32 $0x11080;
	s17 =	simm.s32 $0x11880;
	s18 =	simm.s32 $0x12080  }
0x1b: {  	s19 =	simm.s32 $0x12880;
	s20 =	simm.s32 $0x13080;
	[dreg:$0x1c] =	wrdreg s23  }
0x1c: {  	s21 =	simm.s32 $0x13880;
	s6 =	sor.u32 s7, s6;
	[dreg:$0x1d] =	wrdreg s24  }
0x1d: {  	s7 =	sshrl.u32 s22, $0x3;
	s22 =	simm.s32 $0xB080;
	[dreg:$0x1e] =	wrdreg s25  }
0x1e: {  	[dreg:$0x1f] =	wrdreg s26;
	s23 =	simm.s32 $0x14880;
	s6 =	sadd.s32 s6, s4  }
0x1f: {  	s4 =	sadd.s32 $0x1800, s4;
	[dreg:$0x1b] =	wrdreg s22;
	s6 =	sadd.s32 $0x1480, s6  }
0x20: {  	s24 =	simm.s32 $0x15080;
	s5 =	sadd.s32 s4, s5;
	[dreg:$0x3] =	wrdreg s6  }
0x21: {  	s4 =	sadd.s32 s4, s7;
	s7 =	simm.s32 $0x4080;
	[dreg:$0x4] =	wrdreg s5  }
0x22: {  	s25 =	simm.s32 $0x15880;
	s4 =	sadd.s32 $0x1800, s4;
	[dreg:$0xd] =	wrdreg s7  }
0x23: {  	s26 =	simm.s32 $0x16080;
	s5 =	simm.s32 $0x3080;
	[dreg:$0x5] =	wrdreg s4  }
0x24: {  	v2 =	vlaneseq.u32;
	s22 =	simm.s32 $0x14080;
	s6 =	simm.s32 $0x3880;
	[dreg:$0xb] =	wrdreg s5  }
0x25: {  	vm0 =	vmmov $0xffff;
	v1 =	vshrl.u32 v2, $0x3;
	s7 =	simm.s32 $0x3;
	[dreg:$0xc] =	wrdreg s6;
	s4 =	sadd.s32 $0x100, s2  }
0x26: {  	v0 =	vand.u32 $0x7, v2;
	v2 =	vor.u32 $0x8, v2;
	v1 =	vmul.u32 $0x8, v1;
	s5 =	sadd.s32 $0x200, s2;
	s6 =	smax.u32 s1, $0x1;
	s1 =	simm.s32 $0x2  }
.LBB2_1:
0x27: {  	s0 =	rddreg [dreg:$0x3]  }
0x28: {  	[tilespmem:s3], [sflag:$0x3] =	stream.linear.gather [hbm4b:s0+s3], $0x80, $0x38;
	[tilespmem:$0x18080] =	vst v63  }
0x29: {  	_ =	swait.ge [sflag:s7], $0x80  }
0x2a: {  	[sflag:s7] =	ssyncset.done $0x0  }
0x2b: {  	[sflag:s7] =	ssyncadd.s32 $0xFFFFFF80  }
0x2c: {  	v3 =	vld [tilespmem:$0x0];
	_ =	sdelay $0x4  }
0x2d: {  	v4 =	vshrl.u32 v3, $0x3  }
0x2e: {  	v4 =	vmul.u32 $0x30, v4  }
0x2f: {  	v3 =	vand.u32 $0x7, v3  }
0x30: {  	v3 =	vor.u32 v3, v4  }
0x31: {  	v4 =	vperm.xlane v3, v0;
	_ =	sdelay $0x1  }
0x32: {  	v4 =	vadd.s32 v1, v4;
	_ =	sdelay $0x3  }
0x33: {  	v3 =	vperm.xlane v3, v2  }
0x34: {  	[tilespmem:s8], [sflag:$0x1] =	stream.indirect_vreg.gather [hbm4b:s2+s3], $0x80, v4, vm0, $0xb8;
	[tilespmem:$0x18080] =	vst v63  }
0x35: {  	s0 =	rddreg [dreg:$0x6];
	v3 =	vadd.s32 v1, v3  }
0x36: {  	[tilespmem:s0], [sflag:$0x1] =	stream.indirect_vreg.gather [hbm4b:s4+s3], $0x80, v4, vm0, $0xb8;
	[tilespmem:$0x18080] =	vst v63  }
0x37: {  	s10 =	rddreg [dreg:$0x7]  }
0x38: {  	[tilespmem:s10], [sflag:$0x1] =	stream.indirect_vreg.gather [hbm4b:s5+s3], $0x80, v4, vm0, $0xb8;
	[tilespmem:$0x18080] =	vst v63  }
0x39: {  	s0 =	rddreg [dreg:$0x8]  }
0x3a: {  	[tilespmem:s0], [sflag:$0x1] =	stream.indirect_vreg.gather [hbm4b:s2+s3], $0x80, v3, vm0, $0xb8;
	[tilespmem:$0x18080] =	vst v63  }
0x3b: {  	s10 =	rddreg [dreg:$0x9]  }
0x3c: {  	[tilespmem:s10], [sflag:$0x1] =	stream.indirect_vreg.gather [hbm4b:s4+s3], $0x80, v3, vm0, $0xb8;
	[tilespmem:$0x18080] =	vst v63  }
0x3d: {  	s0 =	rddreg [dreg:$0xa]  }
0x3e: {  	[tilespmem:s0], [sflag:$0x1] =	stream.indirect_vreg.gather [hbm4b:s5+s3], $0x80, v3, vm0, $0xb8;
	[tilespmem:$0x18080] =	vst v63  }
0x3f: {  	v3 =	vld [tilespmem:$0x10];
	_ =	sdelay $0x4  }
0x40: {  	v57 =	vshrl.u32 v3, $0x3  }
0x41: {  	v4 =	vmul.u32 $0x30, v57  }
0x42: {  	v3 =	vand.u32 $0x7, v3  }
0x43: {  	v3 =	vor.u32 v3, v4  }
0x44: {  	v4 =	vperm.xlane v3, v0;
	_ =	sdelay $0x1  }
0x45: {  	v4 =	vadd.s32 v1, v4;
	_ =	sdelay $0x3  }
0x46: {  	s0 =	rddreg [dreg:$0xb];
	v3 =	vperm.xlane v3, v2  }
0x47: {  	[tilespmem:s0], [sflag:$0x1] =	stream.indirect_vreg.gather [hbm4b:s2+s3], $0x80, v4, vm0, $0xb8;
	[tilespmem:$0x18080] =	vst v63  }
0x48: {  	s10 =	rddreg [dreg:$0xc];
	v3 =	vadd.s32 v1, v3  }
0x49: {  	[tilespmem:s10], [sflag:$0x1] =	stream.indirect_vreg.gather [hbm4b:s4+s3], $0x80, v4, vm0, $0xb8;
	[tilespmem:$0x18080] =	vst v63  }
0x4a: {  	s0 =	rddreg [dreg:$0xd]  }
0x4b: {  	[tilespmem:s0], [sflag:$0x1] =	stream.indirect_vreg.gather [hbm4b:s5+s3], $0x80, v4, vm0, $0xb8;
	[tilespmem:$0x18080] =	vst v63  }
0x4c: {  	s10 =	rddreg [dreg:$0xe]  }
0x4d: {  	[tilespmem:s10], [sflag:$0x1] =	stream.indirect_vreg.gather [hbm4b:s2+s3], $0x80, v3, vm0, $0xb8;
	[tilespmem:$0x18080] =	vst v63  }
0x4e: {  	s0 =	rddreg [dreg:$0xf]  }
0x4f: {  	[tilespmem:s0], [sflag:$0x1] =	stream.indirect_vreg.gather [hbm4b:s4+s3], $0x80, v3, vm0, $0xb8;
	[tilespmem:$0x18080] =	vst v63  }
0x50: {  	s10 =	rddreg [dreg:$0x10]  }
0x51: {  	[tilespmem:s10], [sflag:$0x1] =	stream.indirect_vreg.gather [hbm4b:s5+s3], $0x80, v3, vm0, $0xb8;
	[tilespmem:$0x18080] =	vst v63  }
0x52: {  	v3 =	vld [tilespmem:$0x20];
	_ =	sdelay $0x4  }
0x53: {  	v58 =	vshrl.u32 v3, $0x3  }
0x54: {  	v4 =	vmul.u32 $0x30, v58  }
0x55: {  	v3 =	vand.u32 $0x7, v3  }
0x56: {  	v3 =	vor.u32 v3, v4  }
0x57: {  	v4 =	vperm.xlane v3, v0;
	_ =	sdelay $0x1  }
0x58: {  	v4 =	vadd.s32 v1, v4;
	_ =	sdelay $0x3  }
0x59: {  	s0 =	rddreg [dreg:$0x11];
	v3 =	vperm.xlane v3, v2  }
0x5a: {  	[tilespmem:s0], [sflag:$0x1] =	stream.indirect_vreg.gather [hbm4b:s2+s3], $0x80, v4, vm0, $0xb8;
	[tilespmem:$0x18080] =	vst v63  }
0x5b: {  	s10 =	rddreg [dreg:$0x12];
	v3 =	vadd.s32 v1, v3  }
0x5c: {  	[tilespmem:s10], [sflag:$0x1] =	stream.indirect_vreg.gather [hbm4b:s4+s3], $0x80, v4, vm0, $0xb8;
	[tilespmem:$0x18080] =	vst v63  }
0x5d: {  	s0 =	rddreg [dreg:$0x13]  }
0x5e: {  	[tilespmem:s0], [sflag:$0x1] =	stream.indirect_vreg.gather [hbm4b:s5+s3], $0x80, v4, vm0, $0xb8;
	[tilespmem:$0x18080] =	vst v63  }
0x5f: {  	s10 =	rddreg [dreg:$0x14]  }
0x60: {  	[tilespmem:s10], [sflag:$0x1] =	stream.indirect_vreg.gather [hbm4b:s2+s3], $0x80, v3, vm0, $0xb8;
	[tilespmem:$0x18080] =	vst v63  }
0x61: {  	s0 =	rddreg [dreg:$0x15]  }
0x62: {  	[tilespmem:s0], [sflag:$0x1] =	stream.indirect_vreg.gather [hbm4b:s4+s3], $0x80, v3, vm0, $0xb8;
	[tilespmem:$0x18080] =	vst v63  }
0x63: {  	s10 =	rddreg [dreg:$0x16]  }
0x64: {  	[tilespmem:s10], [sflag:$0x1] =	stream.indirect_vreg.gather [hbm4b:s5+s3], $0x80, v3, vm0, $0xb8;
	[tilespmem:$0x18080] =	vst v63  }
0x65: {  	v3 =	vld [tilespmem:$0x30];
	_ =	sdelay $0x4  }
0x66: {  	v59 =	vshrl.u32 v3, $0x3  }
0x67: {  	v4 =	vmul.u32 $0x30, v59  }
0x68: {  	v3 =	vand.u32 $0x7, v3  }
0x69: {  	v3 =	vor.u32 v3, v4  }
0x6a: {  	v4 =	vperm.xlane v3, v0;
	_ =	sdelay $0x1  }
0x6b: {  	v4 =	vadd.s32 v1, v4;
	_ =	sdelay $0x3  }
0x6c: {  	s0 =	rddreg [dreg:$0x17];
	v3 =	vperm.xlane v3, v2  }
0x6d: {  	[tilespmem:s0], [sflag:$0x1] =	stream.indirect_vreg.gather [hbm4b:s2+s3], $0x80, v4, vm0, $0xb8;
	[tilespmem:$0x18080] =	vst v63  }
0x6e: {  	s10 =	rddreg [dreg:$0x18];
	v3 =	vadd.s32 v1, v3  }
0x6f: {  	[tilespmem:s10], [sflag:$0x1] =	stream.indirect_vreg.gather [hbm4b:s4+s3], $0x80, v4, vm0, $0xb8;
	[tilespmem:$0x18080] =	vst v63  }
0x70: {  	s0 =	rddreg [dreg:$0x19]  }
0x71: {  	[tilespmem:s0], [sflag:$0x1] =	stream.indirect_vreg.gather [hbm4b:s5+s3], $0x80, v4, vm0, $0xb8;
	[tilespmem:$0x18080] =	vst v63  }
0x72: {  	s10 =	rddreg [dreg:$0x1a]  }
0x73: {  	[tilespmem:s10], [sflag:$0x1] =	stream.indirect_vreg.gather [hbm4b:s2+s3], $0x80, v3, vm0, $0xb8;
	[tilespmem:$0x18080] =	vst v63  }
0x74: {  	s0 =	rddreg [dreg:$0x1b]  }
0x75: {  	[tilespmem:s0], [sflag:$0x1] =	stream.indirect_vreg.gather [hbm4b:s4+s3], $0x80, v3, vm0, $0xb8;
	[tilespmem:$0x18080] =	vst v63  }
0x76: {  	s10 =	rddreg [dreg:$0x1c]  }
0x77: {  	[tilespmem:s10], [sflag:$0x1] =	stream.indirect_vreg.gather [hbm4b:s5+s3], $0x80, v3, vm0, $0xb8;
	[tilespmem:$0x18080] =	vst v63  }
0x78: {  	v3 =	vld [tilespmem:$0x40];
	_ =	sdelay $0x4  }
0x79: {  	v60 =	vshrl.u32 v3, $0x3  }
0x7a: {  	v4 =	vmul.u32 $0x30, v60  }
0x7b: {  	v3 =	vand.u32 $0x7, v3  }
0x7c: {  	v3 =	vor.u32 v3, v4  }
0x7d: {  	v4 =	vperm.xlane v3, v0;
	_ =	sdelay $0x1  }
0x7e: {  	v4 =	vadd.s32 v1, v4;
	_ =	sdelay $0x3  }
0x7f: {  	v3 =	vperm.xlane v3, v2  }
0x80: {  	[tilespmem:s9], [sflag:$0x2] =	stream.indirect_vreg.gather [hbm4b:s2+s3], $0x80, v4, vm0, $0xb8;
	[tilespmem:$0x18080] =	vst v63  }
0x81: {  	s0 =	rddreg [dreg:$0x1d];
	v3 =	vadd.s32 v1, v3  }
0x82: {  	[tilespmem:s0], [sflag:$0x2] =	stream.indirect_vreg.gather [hbm4b:s4+s3], $0x80, v4, vm0, $0xb8;
	[tilespmem:$0x18080] =	vst v63  }
0x83: {  	s10 =	rddreg [dreg:$0x1e]  }
0x84: {  	[tilespmem:s10], [sflag:$0x2] =	stream.indirect_vreg.gather [hbm4b:s5+s3], $0x80, v4, vm0, $0xb8;
	[tilespmem:$0x18080] =	vst v63  }
0x85: {  	s0 =	rddreg [dreg:$0x1f]  }
0x86: {  	[tilespmem:s0], [sflag:$0x2] =	stream.indirect_vreg.gather [hbm4b:s2+s3], $0x80, v3, vm0, $0xb8;
	[tilespmem:$0x18080] =	vst v63  }
0x87: {  	s10 =	simm.s32 $0xE080  }
0x88: {  	[tilespmem:s10], [sflag:$0x2] =	stream.indirect_vreg.gather [hbm4b:s4+s3], $0x80, v3, vm0, $0xb8;
	[tilespmem:$0x18080] =	vst v63  }
0x89: {  	_ = 	snop  }
0x8a: {  	[tilespmem:s11], [sflag:$0x2] =	stream.indirect_vreg.gather [hbm4b:s5+s3], $0x80, v3, vm0, $0xb8;
	[tilespmem:$0x18080] =	vst v63  }
0x8b: {  	v3 =	vld [tilespmem:$0x50];
	_ =	sdelay $0x4  }
0x8c: {  	v61 =	vshrl.u32 v3, $0x3  }
0x8d: {  	v4 =	vmul.u32 $0x30, v61  }
0x8e: {  	v3 =	vand.u32 $0x7, v3  }
0x8f: {  	v3 =	vor.u32 v3, v4  }
0x90: {  	v4 =	vperm.xlane v3, v0;
	_ =	sdelay $0x1  }
0x91: {  	v4 =	vadd.s32 v1, v4;
	_ =	sdelay $0x3  }
0x92: {  	v3 =	vperm.xlane v3, v2  }
0x93: {  	[tilespmem:s12], [sflag:$0x2] =	stream.indirect_vreg.gather [hbm4b:s2+s3], $0x80, v4, vm0, $0xb8;
	[tilespmem:$0x18080] =	vst v63  }
0x94: {  	v3 =	vadd.s32 v1, v3  }
0x95: {  	[tilespmem:s13], [sflag:$0x2] =	stream.indirect_vreg.gather [hbm4b:s4+s3], $0x80, v4, vm0, $0xb8;
	[tilespmem:$0x18080] =	vst v63  }
0x96: {  	_ = 	snop  }
0x97: {  	[tilespmem:s14], [sflag:$0x2] =	stream.indirect_vreg.gather [hbm4b:s5+s3], $0x80, v4, vm0, $0xb8;
	[tilespmem:$0x18080] =	vst v63  }
0x98: {  	_ = 	snop  }
0x99: {  	[tilespmem:s15], [sflag:$0x2] =	stream.indirect_vreg.gather [hbm4b:s2+s3], $0x80, v3, vm0, $0xb8;
	[tilespmem:$0x18080] =	vst v63  }
0x9a: {  	_ = 	snop  }
0x9b: {  	[tilespmem:s16], [sflag:$0x2] =	stream.indirect_vreg.gather [hbm4b:s4+s3], $0x80, v3, vm0, $0xb8;
	[tilespmem:$0x18080] =	vst v63  }
0x9c: {  	_ = 	snop  }
0x9d: {  	[tilespmem:s17], [sflag:$0x2] =	stream.indirect_vreg.gather [hbm4b:s5+s3], $0x80, v3, vm0, $0xb8;
	[tilespmem:$0x18080] =	vst v63  }
0x9e: {  	v3 =	vld [tilespmem:$0x60];
	_ =	sdelay $0x4  }
0x9f: {  	v62 =	vshrl.u32 v3, $0x3  }
0xa0: {  	v4 =	vmul.u32 $0x30, v62  }
0xa1: {  	v3 =	vand.u32 $0x7, v3  }
0xa2: {  	v3 =	vor.u32 v3, v4  }
0xa3: {  	v4 =	vperm.xlane v3, v0;
	_ =	sdelay $0x1  }
0xa4: {  	v4 =	vadd.s32 v1, v4;
	_ =	sdelay $0x3  }
0xa5: {  	v3 =	vperm.xlane v3, v2  }
0xa6: {  	[tilespmem:s18], [sflag:$0x2] =	stream.indirect_vreg.gather [hbm4b:s2+s3], $0x80, v4, vm0, $0xb8;
	[tilespmem:$0x18080] =	vst v63  }
0xa7: {  	v3 =	vadd.s32 v1, v3  }
0xa8: {  	[tilespmem:s19], [sflag:$0x2] =	stream.indirect_vreg.gather [hbm4b:s4+s3], $0x80, v4, vm0, $0xb8;
	[tilespmem:$0x18080] =	vst v63  }
0xa9: {  	_ = 	snop  }
0xaa: {  	[tilespmem:s20], [sflag:$0x2] =	stream.indirect_vreg.gather [hbm4b:s5+s3], $0x80, v4, vm0, $0xb8;
	[tilespmem:$0x18080] =	vst v63  }
0xab: {  	_ = 	snop  }
0xac: {  	[tilespmem:s21], [sflag:$0x2] =	stream.indirect_vreg.gather [hbm4b:s2+s3], $0x80, v3, vm0, $0xb8;
	[tilespmem:$0x18080] =	vst v63  }
0xad: {  	_ = 	snop  }
0xae: {  	[tilespmem:s22], [sflag:$0x2] =	stream.indirect_vreg.gather [hbm4b:s4+s3], $0x80, v3, vm0, $0xb8;
	[tilespmem:$0x18080] =	vst v63  }
0xaf: {  	_ = 	snop  }
0xb0: {  	[tilespmem:s23], [sflag:$0x2] =	stream.indirect_vreg.gather [hbm4b:s5+s3], $0x80, v3, vm0, $0xb8;
	[tilespmem:$0x18080] =	vst v63  }
0xb1: {  	v3 =	vld [tilespmem:$0x70];
	_ =	sdelay $0x4  }
0xb2: {  	v63 =	vshrl.u32 v3, $0x3  }
0xb3: {  	v4 =	vmul.u32 $0x30, v63  }
0xb4: {  	v3 =	vand.u32 $0x7, v3  }
0xb5: {  	v3 =	vor.u32 v3, v4  }
0xb6: {  	v4 =	vperm.xlane v3, v0;
	_ =	sdelay $0x1  }
0xb7: {  	v4 =	vadd.s32 v1, v4;
	_ =	sdelay $0x3  }
0xb8: {  	v3 =	vperm.xlane v3, v2  }
0xb9: {  	[tilespmem:s24], [sflag:$0x2] =	stream.indirect_vreg.gather [hbm4b:s2+s3], $0x80, v4, vm0, $0xb8;
	[tilespmem:$0x18080] =	vst v63  }
0xba: {  	v3 =	vadd.s32 v1, v3  }
0xbb: {  	[tilespmem:s25], [sflag:$0x2] =	stream.indirect_vreg.gather [hbm4b:s4+s3], $0x80, v4, vm0, $0xb8;
	[tilespmem:$0x18080] =	vst v63  }
0xbc: {  	_ = 	snop  }
0xbd: {  	[tilespmem:s26], [sflag:$0x2] =	stream.indirect_vreg.gather [hbm4b:s5+s3], $0x80, v4, vm0, $0xb8;
	[tilespmem:$0x18080] =	vst v63  }
0xbe: {  	_ = 	snop  }
0xbf: {  	[tilespmem:s28], [sflag:$0x2] =	stream.indirect_vreg.gather [hbm4b:s2+s3], $0x80, v3, vm0, $0xb8;
	[tilespmem:$0x18080] =	vst v63  }
0xc0: {  	_ = 	snop  }
0xc1: {  	[tilespmem:s29], [sflag:$0x2] =	stream.indirect_vreg.gather [hbm4b:s4+s3], $0x80, v3, vm0, $0xb8;
	[tilespmem:$0x18080] =	vst v63  }
0xc2: {  	_ = 	snop  }
0xc3: {  	[tilespmem:s30], [sflag:$0x2] =	stream.indirect_vreg.gather [hbm4b:s5+s3], $0x80, v3, vm0, $0xb8;
	[tilespmem:$0x18080] =	vst v63  }
0xc4: {  	_ =	swait.ge [sflag:s31], $0xC000  }
0xc5: {  	[sflag:s31] =	ssyncset.done $0x0  }
0xc6: {  	s10 =	rddreg [dreg:$0x4];
	[sflag:s31] =	ssyncadd.s32 $0xFFFF4000  }
0xc7: {  	[hbm4b:s10+s3] =	stream.linear.scatter [tilespmem:s8], [sflag:$0x3], $0xC000, $0x38;
	[tilespmem:$0x18080] =	vst v63  }
0xc8: {  	_ =	swait.ge [sflag:s7], $0xC000  }
0xc9: {  	[sflag:s7] =	ssyncset.done $0x0  }
0xca: {  	[sflag:s7] =	ssyncadd.s32 $0xFFFF4000  }
0xcb: {  	_ =	swait.ge [sflag:s1], $0xC000  }
0xcc: {  	p0 =	sne.s32 s6, $0x1;
	[sflag:s1] =	ssyncset.done $0x0  }
.Ltmp0:
0xcd: {  	s10 =	rddreg [dreg:$0x5];
	[sflag:s1] =	ssyncadd.s32 $0xFFFF4000;
	(pc) =	sbr.rel @p0 .LBB2_1-.Ltmp0, $4  }
0xce: {  	[hbm4b:s10+s3] =	stream.linear.scatter [tilespmem:s9], [sflag:$0x3], $0xC000, $0x38;
	[tilespmem:$0x18080] =	vst v63  }
0xcf: {  	_ =	swait.ge [sflag:s7], $0xC000  }
0xd0: {  	[sflag:s7] =	ssyncset.done $0x0  }
0xd1: {  	s6 =	sadd.s32 $0xFFFFFFFF, s6;
	[sflag:s7] =	ssyncadd.s32 $0xFFFF4000  }
0xd2: {  	_ =	sfence.sel $0x180000  }
0xd3: {  	[bflag:$0x0] =	sbarrier.arrive $0xFFFF  }
0xd4: {  	_ =	strace $0x9000004A  }
0xd5: {  	s0 =	stileid.u32;
	[bflag:$0x2] =	sbarrier.arrive $0xFFFF  }
0xd6: {  	p0 =	sne.s32 s0, $0x0;
	s0 =	rddreg [dreg:$0x2]  }
0xd7: {  	s0 =	sadd.s32 @!p0 $0x100000, s0  }
0xd8: {  	[sflag:s0] =	ssyncadd.tile.s32 @!p0 $0x1;
	_ =	shalt  }
.Lfunc_end2:
_tile_overlayer_lowered:
.L_overlay_start_2:
0xd9: {  	(tag) =	ssettag $0x2  }
0xda: {  	s0 =	rddreg [dreg:$0x0];
	s2 =	stileid.u32  }
0xdb: {  	s1 =	rddreg [dreg:$0x1];
	p0 =	sne.s32 s2, $0x0  }
0xdc: {  	s3 =	rddreg [dreg:$0x2];
	[bflag:$0x3] =	sbarrier.arrive $0xFFFF;
	s2 =	simm.s32 @!p0 $0x1C03  }
0xdd: {  	[timem:s3], [sflag:s2] =	dma.local @!p0 [hbm:s0], s1  }
0xde: {  	s0 =	simm.s32 @!p0 $0x3  }
0xdf: {  	_ =	swait.ge @!p0 [sflag:s0], s1  }
0xe0: {  	s1 =	ssub.s32 @!p0 $0x0, s1;
	[sflag:s0] =	ssyncset.done @!p0 $0x0  }
0xe1: {  	[sflag:s0] =	ssyncadd.s32 @!p0 s1  }
0xe2: {  	[bflag:$0x3] =	sbarrier.arrive $0xFFFF  }
0xe3: {  	_ =	shalt  }

</sc_bundles>
